<compile_context>
chip_gen: v7x
topology: tpu7x:2x2x1
jax: 0.10.2.dev20260603
libtpu: 0.0.44.dev20260713+nightly
codegen_flags: <defaults>
</compile_context>

<pallas_src>
import functools

import jax
import jax.numpy as jnp
from jax import lax
from jax.experimental import pallas as pl
from jax.experimental.pallas import tpu as pltpu
from jax.experimental.pallas import tpu_sc as plsc

HIDDEN = 128
B = 1024 * 200
NW = 32
B_PER_W = B // NW
CHUNK = 472
NBUF = 2
_SZS = [CHUNK] * 13 + [B_PER_W - 13 * CHUNK]
_OFFS = [sum(_SZS[:k]) for k in range(len(_SZS))]
N_CHUNKS = len(_SZS)

_mesh = plsc.VectorSubcoreMesh(core_axis_name="c", subcore_axis_name="s")


@functools.partial(
    pl.kernel,
    out_type=jax.ShapeDtypeStruct((B, HIDDEN), jnp.float32),
    mesh=_mesh,
    scratch_types=(
        [pltpu.VMEM((B_PER_W,), jnp.int32)]
        + [pltpu.VMEM((CHUNK, HIDDEN), jnp.float32) for _ in range(NBUF)]
        + [pltpu.SemaphoreType.DMA for _ in range(2 * NBUF)]
    ),
)
def _gather_kernel(idx_hbm, w_hbm, out_hbm, idx_v, *bufs_and_sems):
    rows = bufs_and_sems[:NBUF]
    gsem = bufs_and_sems[NBUF:2 * NBUF]
    ssem = bufs_and_sems[2 * NBUF:]
    wid = lax.axis_index("c") * 16 + lax.axis_index("s")
    base = wid * B_PER_W

    pltpu.sync_copy(idx_hbm.at[pl.ds(base, _SZS[0])],
                    idx_v.at[pl.ds(0, _SZS[0])])

    def gather(i):
        return pltpu.async_copy(
            w_hbm.at[idx_v.at[pl.ds(_OFFS[i], _SZS[i])]],
            rows[i % NBUF].at[pl.ds(0, _SZS[i])],
            gsem[i % NBUF])

    def store(i):
        return pltpu.async_copy(
            rows[i % NBUF].at[pl.ds(0, _SZS[i])],
            out_hbm.at[pl.ds(base + _OFFS[i], _SZS[i])],
            ssem[i % NBUF])

    waits = [None] * N_CHUNKS
    g_handles = [gather(0)]
    pltpu.sync_copy(idx_hbm.at[pl.ds(base + _SZS[0], B_PER_W - _SZS[0])],
                    idx_v.at[pl.ds(_SZS[0], B_PER_W - _SZS[0])])
    for i in range(N_CHUNKS):
        if i + 1 < N_CHUNKS:
            j = i + 1 - NBUF
            if j >= 0:
                waits[j].wait()
                waits[j] = None
            g_handles.append(gather(i + 1))
        g_handles[i].wait()
        waits[i] = store(i)
    for w in waits:
        if w is not None:
            w.wait()


def kernel(idx, weight):
    flat = idx.reshape(-1)
    out = _gather_kernel(flat, weight)
    return out.reshape(idx.shape[0], idx.shape[1], HIDDEN)

# --- scband reference (transcript-rebuilt; emitter-appended) ---
"""Pipeline reference for scband-vocab-parallel-embedding-50611894616446 (READ-ONLY COPY).

The authoritative reference and input builder live on the scoring server;
editing this copy changes nothing except your own understanding.
"""

import jax, jax.numpy as jnp
import numpy as np

VOCAB = 100000
HIDDEN = 128
BATCH = 1024
SEQ = 200


def setup_inputs(seed: int = 0) -> dict:
    key = jax.random.key(seed)
    k_idx, k_w = jax.random.split(key)
    idx = jax.random.randint(k_idx, (BATCH, SEQ), 0, VOCAB, dtype=jnp.int32)
    # xavier_normal_ init: std = sqrt(2 / (fan_in + fan_out))
    std = float(np.sqrt(2.0 / (VOCAB + HIDDEN)))
    weight = jax.random.normal(k_w, (VOCAB, HIDDEN), dtype=jnp.float32) * std
    return {"idx": idx, "weight": weight}


def reference(idx, weight):
    # Single-device simulation of the SUMMA 2D vocab-parallel embedding:
    # summa_dim = 1 -> one vocab partition covering the full table; the
    # partition loop with masking is kept to mirror the original forward.
    summa_dim = 1
    vocab_pp = weight.shape[0] // summa_dim
    hidden_pp = weight.shape[1]
    batch_pp, seq_length = idx.shape
    output = jnp.zeros((batch_pp, seq_length, hidden_pp), dtype=weight.dtype)
    for i in range(summa_dim):
        vocab_start = vocab_pp * i
        vocab_end = vocab_start + vocab_pp
        mask = (idx < vocab_start) | (idx >= vocab_end)
        idx_temp = jnp.where(mask, 0, idx - vocab_start)
        w_part = jax.lax.dynamic_slice_in_dim(weight, vocab_start, vocab_pp, axis=0)
        out_temp = jnp.take(w_part, idx_temp, axis=0)
        out_temp = jnp.where(mask[..., None], 0.0, out_temp)
        output = output + out_temp
    return output

if __name__ == "__main__":
    import jax
    _d = setup_inputs()
    print(jax.jit(kernel)(*tuple(_d.values())))

</pallas_src>

<mosaic_0001>
#map = affine_map<(d0, d1) -> (0)>
#map1 = affine_map<(d0, d1) -> (0, 0)>
module attributes {stable_mosaic.version = 14 : i64} {
  func.func @_gather_kernel(%arg0: i32, %arg1: i32, %arg2: memref<204800xi32, #tpu.memory_space<hbm>>, %arg3: memref<100000x128xf32, #tpu.memory_space<hbm>>, %arg4: memref<204800x128xf32, #tpu.memory_space<hbm>>, %arg5: memref<6400xi32, #tpu.memory_space<vmem>>, %arg6: memref<472x128xf32, #tpu.memory_space<vmem>>, %arg7: memref<472x128xf32, #tpu.memory_space<vmem>>, %arg8: memref<!tpu.dma_semaphore, #tpu.memory_space<semaphore_mem>>, %arg9: memref<!tpu.dma_semaphore, #tpu.memory_space<semaphore_mem>>, %arg10: memref<!tpu.dma_semaphore, #tpu.memory_space<semaphore_mem>>, %arg11: memref<!tpu.dma_semaphore, #tpu.memory_space<semaphore_mem>>) attributes {dimension_semantics = [#tpu.dimension_semantics<core_parallel>, #tpu.dimension_semantics<subcore_parallel>], iteration_bounds = array<i64: 2, 16>, scalar_prefetch = 0 : i64, scratch_operands = 7 : i64, tpu.core_type = #tpu.core_type<sc_vector_subcore>, window_params = [{transform_indices = #map}, {transform_indices = #map1}, {transform_indices = #map1}]} {
    %mul3A = arith.constant 16 : i32
    %mul3A_0 = arith.muli %arg0, %mul3A : i32
    %add3A = arith.addi %mul3A_0, %arg1 : i32
    %mul3A_1 = arith.constant 6400 : i32
    %mul3A_2 = arith.muli %add3A, %mul3A_1 : i32
    "tpu.region"() ({
      %run_scoped3A = tpu.sem_alloc : memref<!tpu.dma_semaphore, #tpu.memory_space<semaphore_mem>>
      %dma_start3A_535 = arith.constant 0 : i32
      %dma_start3A_536 = tpu.memref_slice %arg5[%dma_start3A_535] : memref<6400xi32, #tpu.memory_space<vmem>> -> memref<472xi32, #tpu.memory_space<vmem>>
      %dma_start3A_537 = tpu.memref_slice %arg2[%mul3A_2] : memref<204800xi32, #tpu.memory_space<hbm>> -> memref<472xi32, #tpu.memory_space<hbm>>
      %dma_start3A_538 = arith.constant 0 : i32
      %dma_start3A_539 = tpu.memref_slice %arg5[%dma_start3A_538] : memref<6400xi32, #tpu.memory_space<vmem>> -> memref<472xi32, #tpu.memory_space<vmem>>
      %dma_start3A_540 = tpu.memref_slice %arg2[%mul3A_2] : memref<204800xi32, #tpu.memory_space<hbm>> -> memref<472xi32, #tpu.memory_space<hbm>>
      tpu.enqueue_dma source(%dma_start3A_540 : memref<472xi32, #tpu.memory_space<hbm>>) target(%dma_start3A_539 : memref<472xi32, #tpu.memory_space<vmem>>) target_semaphore(%run_scoped3A : memref<!tpu.dma_semaphore, #tpu.memory_space<semaphore_mem>>)
      %dma_wait3A_541 = arith.constant 0 : i32
      %dma_wait3A_542 = tpu.memref_slice %arg5[%dma_wait3A_541] : memref<6400xi32, #tpu.memory_space<vmem>> -> memref<472xi32, #tpu.memory_space<vmem>>
      %dma_wait3A_543 = tpu.memref_slice %arg2[%mul3A_2] : memref<204800xi32, #tpu.memory_space<hbm>> -> memref<472xi32, #tpu.memory_space<hbm>>
      %dma_wait3A_544 = arith.constant 0 : i32
      %dma_wait3A_545 = tpu.memref_slice %arg5[%dma_wait3A_544] : memref<6400xi32, #tpu.memory_space<vmem>> -> memref<472xi32, #tpu.memory_space<vmem>>
      %dma_wait3A_546 = tpu.memref_slice %arg2[%mul3A_2] : memref<204800xi32, #tpu.memory_space<hbm>> -> memref<472xi32, #tpu.memory_space<hbm>>
      tpu.wait_dma2 semaphore(%run_scoped3A : memref<!tpu.dma_semaphore, #tpu.memory_space<semaphore_mem>>) src(%dma_wait3A_546 : memref<472xi32, #tpu.memory_space<hbm>>) dst(%dma_wait3A_545 : memref<472xi32, #tpu.memory_space<vmem>>)
      tpu.yield
    }) : () -> ()
    %dma_start3A = arith.constant 0 : i32
    %dma_start3A_3 = arith.constant 0 : i32
    %dma_start3A_4 = tpu.memref_slice %arg6[%dma_start3A, %dma_start3A_3] : memref<472x128xf32, #tpu.memory_space<vmem>> -> memref<472x128xf32, #tpu.memory_space<vmem>>
    %dma_start3A_5 = arith.constant 0 : i32
    %dma_start3A_6 = tpu.memref_slice %arg5[%dma_start3A_5] : memref<6400xi32, #tpu.memory_space<vmem>> -> memref<472xi32, #tpu.memory_space<vmem>>
    %dma_start3A_7 = arith.constant 0 : i32
    %dma_start3A_8 = arith.constant 0 : i32
    %dma_start3A_9 = tpu.memref_slice %arg3[%dma_start3A_7, %dma_start3A_8] : memref<100000x128xf32, #tpu.memory_space<hbm>> -> memref<100000x128xf32, #tpu.memory_space<hbm>>
    tpu.enqueue_indirect_dma source(%dma_start3A_9 : memref<100000x128xf32, #tpu.memory_space<hbm>>) target(%dma_start3A_4 : memref<472x128xf32, #tpu.memory_space<vmem>>) offsets(%dma_start3A_6 : memref<472xi32, #tpu.memory_space<vmem>>) semaphore(%arg8 : memref<!tpu.dma_semaphore, #tpu.memory_space<semaphore_mem>>)
    %add3A_10 = arith.constant 472 : i32
    %add3A_11 = arith.addi %mul3A_2, %add3A_10 : i32
    "tpu.region"() ({
      %run_scoped3A = tpu.sem_alloc : memref<!tpu.dma_semaphore, #tpu.memory_space<semaphore_mem>>
      %dma_start3A_535 = arith.constant 472 : i32
      %dma_start3A_536 = tpu.memref_slice %arg5[%dma_start3A_535] : memref<6400xi32, #tpu.memory_space<vmem>> -> memref<5928xi32, #tpu.memory_space<vmem>>
      %dma_start3A_537 = tpu.memref_slice %arg2[%add3A_11] : memref<204800xi32, #tpu.memory_space<hbm>> -> memref<5928xi32, #tpu.memory_space<hbm>>
      %dma_start3A_538 = arith.constant 472 : i32
      %dma_start3A_539 = tpu.memref_slice %arg5[%dma_start3A_538] : memref<6400xi32, #tpu.memory_space<vmem>> -> memref<5928xi32, #tpu.memory_space<vmem>>
      %dma_start3A_540 = tpu.memref_slice %arg2[%add3A_11] : memref<204800xi32, #tpu.memory_space<hbm>> -> memref<5928xi32, #tpu.memory_space<hbm>>
      tpu.enqueue_dma source(%dma_start3A_540 : memref<5928xi32, #tpu.memory_space<hbm>>) target(%dma_start3A_539 : memref<5928xi32, #tpu.memory_space<vmem>>) target_semaphore(%run_scoped3A : memref<!tpu.dma_semaphore, #tpu.memory_space<semaphore_mem>>)
      %dma_wait3A_541 = arith.constant 472 : i32
      %dma_wait3A_542 = tpu.memref_slice %arg5[%dma_wait3A_541] : memref<6400xi32, #tpu.memory_space<vmem>> -> memref<5928xi32, #tpu.memory_space<vmem>>
      %dma_wait3A_543 = tpu.memref_slice %arg2[%add3A_11] : memref<204800xi32, #tpu.memory_space<hbm>> -> memref<5928xi32, #tpu.memory_space<hbm>>
      %dma_wait3A_544 = arith.constant 472 : i32
      %dma_wait3A_545 = tpu.memref_slice %arg5[%dma_wait3A_544] : memref<6400xi32, #tpu.memory_space<vmem>> -> memref<5928xi32, #tpu.memory_space<vmem>>
      %dma_wait3A_546 = tpu.memref_slice %arg2[%add3A_11] : memref<204800xi32, #tpu.memory_space<hbm>> -> memref<5928xi32, #tpu.memory_space<hbm>>
      tpu.wait_dma2 semaphore(%run_scoped3A : memref<!tpu.dma_semaphore, #tpu.memory_space<semaphore_mem>>) src(%dma_wait3A_546 : memref<5928xi32, #tpu.memory_space<hbm>>) dst(%dma_wait3A_545 : memref<5928xi32, #tpu.memory_space<vmem>>)
      tpu.yield
    }) : () -> ()
    %dma_start3A_12 = arith.constant 0 : i32
    %dma_start3A_13 = arith.constant 0 : i32
    %dma_start3A_14 = tpu.memref_slice %arg7[%dma_start3A_12, %dma_start3A_13] : memref<472x128xf32, #tpu.memory_space<vmem>> -> memref<472x128xf32, #tpu.memory_space<vmem>>
    %dma_start3A_15 = arith.constant 472 : i32
    %dma_start3A_16 = tpu.memref_slice %arg5[%dma_start3A_15] : memref<6400xi32, #tpu.memory_space<vmem>> -> memref<472xi32, #tpu.memory_space<vmem>>
    %dma_start3A_17 = arith.constant 0 : i32
    %dma_start3A_18 = arith.constant 0 : i32
    %dma_start3A_19 = tpu.memref_slice %arg3[%dma_start3A_17, %dma_start3A_18] : memref<100000x128xf32, #tpu.memory_space<hbm>> -> memref<100000x128xf32, #tpu.memory_space<hbm>>
    tpu.enqueue_indirect_dma source(%dma_start3A_19 : memref<100000x128xf32, #tpu.memory_space<hbm>>) target(%dma_start3A_14 : memref<472x128xf32, #tpu.memory_space<vmem>>) offsets(%dma_start3A_16 : memref<472xi32, #tpu.memory_space<vmem>>) semaphore(%arg9 : memref<!tpu.dma_semaphore, #tpu.memory_space<semaphore_mem>>)
    %dma_wait3A = arith.constant 0 : i32
    %dma_wait3A_20 = arith.constant 0 : i32
    %dma_wait3A_21 = tpu.memref_slice %arg6[%dma_wait3A, %dma_wait3A_20] : memref<472x128xf32, #tpu.memory_space<vmem>> -> memref<472x128xf32, #tpu.memory_space<vmem>>
    %dma_wait3A_22 = arith.constant 0 : i32
    %dma_wait3A_23 = tpu.memref_slice %arg5[%dma_wait3A_22] : memref<6400xi32, #tpu.memory_space<vmem>> -> memref<472xi32, #tpu.memory_space<vmem>>
    %dma_wait3A_24 = arith.constant 0 : i32
    %dma_wait3A_25 = arith.constant 0 : i32
    %dma_wait3A_26 = tpu.memref_slice %arg3[%dma_wait3A_24, %dma_wait3A_25] : memref<100000x128xf32, #tpu.memory_space<hbm>> -> memref<100000x128xf32, #tpu.memory_space<hbm>>
    tpu.wait_indirect_dma semaphore(%arg8 : memref<!tpu.dma_semaphore, #tpu.memory_space<semaphore_mem>>) src(%dma_wait3A_26 : memref<100000x128xf32, #tpu.memory_space<hbm>>) dst(%dma_wait3A_21 : memref<472x128xf32, #tpu.memory_space<vmem>>)
    %add3A_27 = arith.constant 0 : i32
    %add3A_28 = arith.addi %mul3A_2, %add3A_27 : i32
    %dma_start3A_29 = arith.constant 0 : i32
    %dma_start3A_30 = arith.constant 0 : i32
    %dma_start3A_31 = tpu.memref_slice %arg6[%dma_start3A_29, %dma_start3A_30] : memref<472x128xf32, #tpu.memory_space<vmem>> -> memref<472x128xf32, #tpu.memory_space<vmem>>
    %dma_start3A_32 = arith.constant 0 : i32
    %dma_start3A_33 = tpu.memref_slice %arg4[%add3A_28, %dma_start3A_32] : memref<204800x128xf32, #tpu.memory_space<hbm>> -> memref<472x128xf32, #tpu.memory_space<hbm>>
    %dma_start3A_34 = arith.constant 0 : i32
    %dma_start3A_35 = tpu.memref_slice %arg4[%add3A_28, %dma_start3A_34] : memref<204800x128xf32, #tpu.memory_space<hbm>> -> memref<472x128xf32, #tpu.memory_space<hbm>>
    %dma_start3A_36 = arith.constant 0 : i32
    %dma_start3A_37 = arith.constant 0 : i32
    %dma_start3A_38 = tpu.memref_slice %arg6[%dma_start3A_36, %dma_start3A_37] : memref<472x128xf32, #tpu.memory_space<vmem>> -> memref<472x128xf32, #tpu.memory_space<vmem>>
    tpu.enqueue_dma source(%dma_start3A_38 : memref<472x128xf32, #tpu.memory_space<vmem>>) target(%dma_start3A_35 : memref<472x128xf32, #tpu.memory_space<hbm>>) target_semaphore(%arg10 : memref<!tpu.dma_semaphore, #tpu.memory_space<semaphore_mem>>)
    %dma_wait3A_39 = arith.constant 0 : i32
    %dma_wait3A_40 = arith.constant 0 : i32
    %dma_wait3A_41 = tpu.memref_slice %arg6[%dma_wait3A_39, %dma_wait3A_40] : memref<472x128xf32, #tpu.memory_space<vmem>> -> memref<472x128xf32, #tpu.memory_space<vmem>>
    %dma_wait3A_42 = arith.constant 0 : i32
    %dma_wait3A_43 = tpu.memref_slice %arg4[%add3A_28, %dma_wait3A_42] : memref<204800x128xf32, #tpu.memory_space<hbm>> -> memref<472x128xf32, #tpu.memory_space<hbm>>
    %dma_wait3A_44 = arith.constant 0 : i32
    %dma_wait3A_45 = tpu.memref_slice %arg4[%add3A_28, %dma_wait3A_44] : memref<204800x128xf32, #tpu.memory_space<hbm>> -> memref<472x128xf32, #tpu.memory_space<hbm>>
    %dma_wait3A_46 = arith.constant 0 : i32
    %dma_wait3A_47 = arith.constant 0 : i32
    %dma_wait3A_48 = tpu.memref_slice %arg6[%dma_wait3A_46, %dma_wait3A_47] : memref<472x128xf32, #tpu.memory_space<vmem>> -> memref<472x128xf32, #tpu.memory_space<vmem>>
    tpu.wait_dma2 semaphore(%arg10 : memref<!tpu.dma_semaphore, #tpu.memory_space<semaphore_mem>>) src(%dma_wait3A_48 : memref<472x128xf32, #tpu.memory_space<vmem>>) dst(%dma_wait3A_45 : memref<472x128xf32, #tpu.memory_space<hbm>>)
    %dma_start3A_49 = arith.constant 0 : i32
    %dma_start3A_50 = arith.constant 0 : i32
    %dma_start3A_51 = tpu.memref_slice %arg6[%dma_start3A_49, %dma_start3A_50] : memref<472x128xf32, #tpu.memory_space<vmem>> -> memref<472x128xf32, #tpu.memory_space<vmem>>
    %dma_start3A_52 = arith.constant 944 : i32
    %dma_start3A_53 = tpu.memref_slice %arg5[%dma_start3A_52] : memref<6400xi32, #tpu.memory_space<vmem>> -> memref<472xi32, #tpu.memory_space<vmem>>
    %dma_start3A_54 = arith.constant 0 : i32
    %dma_start3A_55 = arith.constant 0 : i32
    %dma_start3A_56 = tpu.memref_slice %arg3[%dma_start3A_54, %dma_start3A_55] : memref<100000x128xf32, #tpu.memory_space<hbm>> -> memref<100000x128xf32, #tpu.memory_space<hbm>>
    tpu.enqueue_indirect_dma source(%dma_start3A_56 : memref<100000x128xf32, #tpu.memory_space<hbm>>) target(%dma_start3A_51 : memref<472x128xf32, #tpu.memory_space<vmem>>) offsets(%dma_start3A_53 : memref<472xi32, #tpu.memory_space<vmem>>) semaphore(%arg8 : memref<!tpu.dma_semaphore, #tpu.memory_space<semaphore_mem>>)
    %dma_wait3A_57 = arith.constant 0 : i32
    %dma_wait3A_58 = arith.constant 0 : i32
    %dma_wait3A_59 = tpu.memref_slice %arg7[%dma_wait3A_57, %dma_wait3A_58] : memref<472x128xf32, #tpu.memory_space<vmem>> -> memref<472x128xf32, #tpu.memory_space<vmem>>
    %dma_wait3A_60 = arith.constant 472 : i32
    %dma_wait3A_61 = tpu.memref_slice %arg5[%dma_wait3A_60] : memref<6400xi32, #tpu.memory_space<vmem>> -> memref<472xi32, #tpu.memory_space<vmem>>
    %dma_wait3A_62 = arith.constant 0 : i32
    %dma_wait3A_63 = arith.constant 0 : i32
    %dma_wait3A_64 = tpu.memref_slice %arg3[%dma_wait3A_62, %dma_wait3A_63] : memref<100000x128xf32, #tpu.memory_space<hbm>> -> memref<100000x128xf32, #tpu.memory_space<hbm>>
    tpu.wait_indirect_dma semaphore(%arg9 : memref<!tpu.dma_semaphore, #tpu.memory_space<semaphore_mem>>) src(%dma_wait3A_64 : memref<100000x128xf32, #tpu.memory_space<hbm>>) dst(%dma_wait3A_59 : memref<472x128xf32, #tpu.memory_space<vmem>>)
    %add3A_65 = arith.constant 472 : i32
    %add3A_66 = arith.addi %mul3A_2, %add3A_65 : i32
    %dma_start3A_67 = arith.constant 0 : i32
    %dma_start3A_68 = arith.constant 0 : i32
    %dma_start3A_69 = tpu.memref_slice %arg7[%dma_start3A_67, %dma_start3A_68] : memref<472x128xf32, #tpu.memory_space<vmem>> -> memref<472x128xf32, #tpu.memory_space<vmem>>
    %dma_start3A_70 = arith.constant 0 : i32
    %dma_start3A_71 = tpu.memref_slice %arg4[%add3A_66, %dma_start3A_70] : memref<204800x128xf32, #tpu.memory_space<hbm>> -> memref<472x128xf32, #tpu.memory_space<hbm>>
    %dma_start3A_72 = arith.constant 0 : i32
    %dma_start3A_73 = tpu.memref_slice %arg4[%add3A_66, %dma_start3A_72] : memref<204800x128xf32, #tpu.memory_space<hbm>> -> memref<472x128xf32, #tpu.memory_space<hbm>>
    %dma_start3A_74 = arith.constant 0 : i32
    %dma_start3A_75 = arith.constant 0 : i32
    %dma_start3A_76 = tpu.memref_slice %arg7[%dma_start3A_74, %dma_start3A_75] : memref<472x128xf32, #tpu.memory_space<vmem>> -> memref<472x128xf32, #tpu.memory_space<vmem>>
    tpu.enqueue_dma source(%dma_start3A_76 : memref<472x128xf32, #tpu.memory_space<vmem>>) target(%dma_start3A_73 : memref<472x128xf32, #tpu.memory_space<hbm>>) target_semaphore(%arg11 : memref<!tpu.dma_semaphore, #tpu.memory_space<semaphore_mem>>)
    %dma_wait3A_77 = arith.constant 0 : i32
    %dma_wait3A_78 = arith.constant 0 : i32
    %dma_wait3A_79 = tpu.memref_slice %arg7[%dma_wait3A_77, %dma_wait3A_78] : memref<472x128xf32, #tpu.memory_space<vmem>> -> memref<472x128xf32, #tpu.memory_space<vmem>>
    %dma_wait3A_80 = arith.constant 0 : i32
    %dma_wait3A_81 = tpu.memref_slice %arg4[%add3A_66, %dma_wait3A_80] : memref<204800x128xf32, #tpu.memory_space<hbm>> -> memref<472x128xf32, #tpu.memory_space<hbm>>
    %dma_wait3A_82 = arith.constant 0 : i32
    %dma_wait3A_83 = tpu.memref_slice %arg4[%add3A_66, %dma_wait3A_82] : memref<204800x128xf32, #tpu.memory_space<hbm>> -> memref<472x128xf32, #tpu.memory_space<hbm>>
    %dma_wait3A_84 = arith.constant 0 : i32
    %dma_wait3A_85 = arith.constant 0 : i32
    %dma_wait3A_86 = tpu.memref_slice %arg7[%dma_wait3A_84, %dma_wait3A_85] : memref<472x128xf32, #tpu.memory_space<vmem>> -> memref<472x128xf32, #tpu.memory_space<vmem>>
    tpu.wait_dma2 semaphore(%arg11 : memref<!tpu.dma_semaphore, #tpu.memory_space<semaphore_mem>>) src(%dma_wait3A_86 : memref<472x128xf32, #tpu.memory_space<vmem>>) dst(%dma_wait3A_83 : memref<472x128xf32, #tpu.memory_space<hbm>>)
    %dma_start3A_87 = arith.constant 0 : i32
    %dma_start3A_88 = arith.constant 0 : i32
    %dma_start3A_89 = tpu.memref_slice %arg7[%dma_start3A_87, %dma_start3A_88] : memref<472x128xf32, #tpu.memory_space<vmem>> -> memref<472x128xf32, #tpu.memory_space<vmem>>
    %dma_start3A_90 = arith.constant 1416 : i32
    %dma_start3A_91 = tpu.memref_slice %arg5[%dma_start3A_90] : memref<6400xi32, #tpu.memory_space<vmem>> -> memref<472xi32, #tpu.memory_space<vmem>>
    %dma_start3A_92 = arith.constant 0 : i32
    %dma_start3A_93 = arith.constant 0 : i32
    %dma_start3A_94 = tpu.memref_slice %arg3[%dma_start3A_92, %dma_start3A_93] : memref<100000x128xf32, #tpu.memory_space<hbm>> -> memref<100000x128xf32, #tpu.memory_space<hbm>>
    tpu.enqueue_indirect_dma source(%dma_start3A_94 : memref<100000x128xf32, #tpu.memory_space<hbm>>) target(%dma_start3A_89 : memref<472x128xf32, #tpu.memory_space<vmem>>) offsets(%dma_start3A_91 : memref<472xi32, #tpu.memory_space<vmem>>) semaphore(%arg9 : memref<!tpu.dma_semaphore, #tpu.memory_space<semaphore_mem>>)
    %dma_wait3A_95 = arith.constant 0 : i32
    %dma_wait3A_96 = arith.constant 0 : i32
    %dma_wait3A_97 = tpu.memref_slice %arg6[%dma_wait3A_95, %dma_wait3A_96] : memref<472x128xf32, #tpu.memory_space<vmem>> -> memref<472x128xf32, #tpu.memory_space<vmem>>
    %dma_wait3A_98 = arith.constant 944 : i32
    %dma_wait3A_99 = tpu.memref_slice %arg5[%dma_wait3A_98] : memref<6400xi32, #tpu.memory_space<vmem>> -> memref<472xi32, #tpu.memory_space<vmem>>
    %dma_wait3A_100 = arith.constant 0 : i32
    %dma_wait3A_101 = arith.constant 0 : i32
    %dma_wait3A_102 = tpu.memref_slice %arg3[%dma_wait3A_100, %dma_wait3A_101] : memref<100000x128xf32, #tpu.memory_space<hbm>> -> memref<100000x128xf32, #tpu.memory_space<hbm>>
    tpu.wait_indirect_dma semaphore(%arg8 : memref<!tpu.dma_semaphore, #tpu.memory_space<semaphore_mem>>) src(%dma_wait3A_102 : memref<100000x128xf32, #tpu.memory_space<hbm>>) dst(%dma_wait3A_97 : memref<472x128xf32, #tpu.memory_space<vmem>>)
    %add3A_103 = arith.constant 944 : i32
    %add3A_104 = arith.addi %mul3A_2, %add3A_103 : i32
    %dma_start3A_105 = arith.constant 0 : i32
    %dma_start3A_106 = arith.constant 0 : i32
    %dma_start3A_107 = tpu.memref_slice %arg6[%dma_start3A_105, %dma_start3A_106] : memref<472x128xf32, #tpu.memory_space<vmem>> -> memref<472x128xf32, #tpu.memory_space<vmem>>
    %dma_start3A_108 = arith.constant 0 : i32
    %dma_start3A_109 = tpu.memref_slice %arg4[%add3A_104, %dma_start3A_108] : memref<204800x128xf32, #tpu.memory_space<hbm>> -> memref<472x128xf32, #tpu.memory_space<hbm>>
    %dma_start3A_110 = arith.constant 0 : i32
    %dma_start3A_111 = tpu.memref_slice %arg4[%add3A_104, %dma_start3A_110] : memref<204800x128xf32, #tpu.memory_space<hbm>> -> memref<472x128xf32, #tpu.memory_space<hbm>>
    %dma_start3A_112 = arith.constant 0 : i32
    %dma_start3A_113 = arith.constant 0 : i32
    %dma_start3A_114 = tpu.memref_slice %arg6[%dma_start3A_112, %dma_start3A_113] : memref<472x128xf32, #tpu.memory_space<vmem>> -> memref<472x128xf32, #tpu.memory_space<vmem>>
    tpu.enqueue_dma source(%dma_start3A_114 : memref<472x128xf32, #tpu.memory_space<vmem>>) target(%dma_start3A_111 : memref<472x128xf32, #tpu.memory_space<hbm>>) target_semaphore(%arg10 : memref<!tpu.dma_semaphore, #tpu.memory_space<semaphore_mem>>)
    %dma_wait3A_115 = arith.constant 0 : i32
    %dma_wait3A_116 = arith.constant 0 : i32
    %dma_wait3A_117 = tpu.memref_slice %arg6[%dma_wait3A_115, %dma_wait3A_116] : memref<472x128xf32, #tpu.memory_space<vmem>> -> memref<472x128xf32, #tpu.memory_space<vmem>>
    %dma_wait3A_118 = arith.constant 0 : i32
    %dma_wait3A_119 = tpu.memref_slice %arg4[%add3A_104, %dma_wait3A_118] : memref<204800x128xf32, #tpu.memory_space<hbm>> -> memref<472x128xf32, #tpu.memory_space<hbm>>
    %dma_wait3A_120 = arith.constant 0 : i32
    %dma_wait3A_121 = tpu.memref_slice %arg4[%add3A_104, %dma_wait3A_120] : memref<204800x128xf32, #tpu.memory_space<hbm>> -> memref<472x128xf32, #tpu.memory_space<hbm>>
    %dma_wait3A_122 = arith.constant 0 : i32
    %dma_wait3A_123 = arith.constant 0 : i32
    %dma_wait3A_124 = tpu.memref_slice %arg6[%dma_wait3A_122, %dma_wait3A_123] : memref<472x128xf32, #tpu.memory_space<vmem>> -> memref<472x128xf32, #tpu.memory_space<vmem>>
    tpu.wait_dma2 semaphore(%arg10 : memref<!tpu.dma_semaphore, #tpu.memory_space<semaphore_mem>>) src(%dma_wait3A_124 : memref<472x128xf32, #tpu.memory_space<vmem>>) dst(%dma_wait3A_121 : memref<472x128xf32, #tpu.memory_space<hbm>>)
    %dma_start3A_125 = arith.constant 0 : i32
    %dma_start3A_126 = arith.constant 0 : i32
    %dma_start3A_127 = tpu.memref_slice %arg6[%dma_start3A_125, %dma_start3A_126] : memref<472x128xf32, #tpu.memory_space<vmem>> -> memref<472x128xf32, #tpu.memory_space<vmem>>
    %dma_start3A_128 = arith.constant 1888 : i32
    %dma_start3A_129 = tpu.memref_slice %arg5[%dma_start3A_128] : memref<6400xi32, #tpu.memory_space<vmem>> -> memref<472xi32, #tpu.memory_space<vmem>>
    %dma_start3A_130 = arith.constant 0 : i32
    %dma_start3A_131 = arith.constant 0 : i32
    %dma_start3A_132 = tpu.memref_slice %arg3[%dma_start3A_130, %dma_start3A_131] : memref<100000x128xf32, #tpu.memory_space<hbm>> -> memref<100000x128xf32, #tpu.memory_space<hbm>>
    tpu.enqueue_indirect_dma source(%dma_start3A_132 : memref<100000x128xf32, #tpu.memory_space<hbm>>) target(%dma_start3A_127 : memref<472x128xf32, #tpu.memory_space<vmem>>) offsets(%dma_start3A_129 : memref<472xi32, #tpu.memory_space<vmem>>) semaphore(%arg8 : memref<!tpu.dma_semaphore, #tpu.memory_space<semaphore_mem>>)
    %dma_wait3A_133 = arith.constant 0 : i32
    %dma_wait3A_134 = arith.constant 0 : i32
    %dma_wait3A_135 = tpu.memref_slice %arg7[%dma_wait3A_133, %dma_wait3A_134] : memref<472x128xf32, #tpu.memory_space<vmem>> -> memref<472x128xf32, #tpu.memory_space<vmem>>
    %dma_wait3A_136 = arith.constant 1416 : i32
    %dma_wait3A_137 = tpu.memref_slice %arg5[%dma_wait3A_136] : memref<6400xi32, #tpu.memory_space<vmem>> -> memref<472xi32, #tpu.memory_space<vmem>>
    %dma_wait3A_138 = arith.constant 0 : i32
    %dma_wait3A_139 = arith.constant 0 : i32
    %dma_wait3A_140 = tpu.memref_slice %arg3[%dma_wait3A_138, %dma_wait3A_139] : memref<100000x128xf32, #tpu.memory_space<hbm>> -> memref<100000x128xf32, #tpu.memory_space<hbm>>
    tpu.wait_indirect_dma semaphore(%arg9 : memref<!tpu.dma_semaphore, #tpu.memory_space<semaphore_mem>>) src(%dma_wait3A_140 : memref<100000x128xf32, #tpu.memory_space<hbm>>) dst(%dma_wait3A_135 : memref<472x128xf32, #tpu.memory_space<vmem>>)
    %add3A_141 = arith.constant 1416 : i32
    %add3A_142 = arith.addi %mul3A_2, %add3A_141 : i32
    %dma_start3A_143 = arith.constant 0 : i32
    %dma_start3A_144 = arith.constant 0 : i32
    %dma_start3A_145 = tpu.memref_slice %arg7[%dma_start3A_143, %dma_start3A_144] : memref<472x128xf32, #tpu.memory_space<vmem>> -> memref<472x128xf32, #tpu.memory_space<vmem>>
    %dma_start3A_146 = arith.constant 0 : i32
    %dma_start3A_147 = tpu.memref_slice %arg4[%add3A_142, %dma_start3A_146] : memref<204800x128xf32, #tpu.memory_space<hbm>> -> memref<472x128xf32, #tpu.memory_space<hbm>>
    %dma_start3A_148 = arith.constant 0 : i32
    %dma_start3A_149 = tpu.memref_slice %arg4[%add3A_142, %dma_start3A_148] : memref<204800x128xf32, #tpu.memory_space<hbm>> -> memref<472x128xf32, #tpu.memory_space<hbm>>
    %dma_start3A_150 = arith.constant 0 : i32
    %dma_start3A_151 = arith.constant 0 : i32
    %dma_start3A_152 = tpu.memref_slice %arg7[%dma_start3A_150, %dma_start3A_151] : memref<472x128xf32, #tpu.memory_space<vmem>> -> memref<472x128xf32, #tpu.memory_space<vmem>>
    tpu.enqueue_dma source(%dma_start3A_152 : memref<472x128xf32, #tpu.memory_space<vmem>>) target(%dma_start3A_149 : memref<472x128xf32, #tpu.memory_space<hbm>>) target_semaphore(%arg11 : memref<!tpu.dma_semaphore, #tpu.memory_space<semaphore_mem>>)
    %dma_wait3A_153 = arith.constant 0 : i32
    %dma_wait3A_154 = arith.constant 0 : i32
    %dma_wait3A_155 = tpu.memref_slice %arg7[%dma_wait3A_153, %dma_wait3A_154] : memref<472x128xf32, #tpu.memory_space<vmem>> -> memref<472x128xf32, #tpu.memory_space<vmem>>
    %dma_wait3A_156 = arith.constant 0 : i32
    %dma_wait3A_157 = tpu.memref_slice %arg4[%add3A_142, %dma_wait3A_156] : memref<204800x128xf32, #tpu.memory_space<hbm>> -> memref<472x128xf32, #tpu.memory_space<hbm>>
    %dma_wait3A_158 = arith.constant 0 : i32
    %dma_wait3A_159 = tpu.memref_slice %arg4[%add3A_142, %dma_wait3A_158] : memref<204800x128xf32, #tpu.memory_space<hbm>> -> memref<472x128xf32, #tpu.memory_space<hbm>>
    %dma_wait3A_160 = arith.constant 0 : i32
    %dma_wait3A_161 = arith.constant 0 : i32
    %dma_wait3A_162 = tpu.memref_slice %arg7[%dma_wait3A_160, %dma_wait3A_161] : memref<472x128xf32, #tpu.memory_space<vmem>> -> memref<472x128xf32, #tpu.memory_space<vmem>>
    tpu.wait_dma2 semaphore(%arg11 : memref<!tpu.dma_semaphore, #tpu.memory_space<semaphore_mem>>) src(%dma_wait3A_162 : memref<472x128xf32, #tpu.memory_space<vmem>>) dst(%dma_wait3A_159 : memref<472x128xf32, #tpu.memory_space<hbm>>)
    %dma_start3A_163 = arith.constant 0 : i32
    %dma_start3A_164 = arith.constant 0 : i32
    %dma_start3A_165 = tpu.memref_slice %arg7[%dma_start3A_163, %dma_start3A_164] : memref<472x128xf32, #tpu.memory_space<vmem>> -> memref<472x128xf32, #tpu.memory_space<vmem>>
    %dma_start3A_166 = arith.constant 2360 : i32
    %dma_start3A_167 = tpu.memref_slice %arg5[%dma_start3A_166] : memref<6400xi32, #tpu.memory_space<vmem>> -> memref<472xi32, #tpu.memory_space<vmem>>
    %dma_start3A_168 = arith.constant 0 : i32
    %dma_start3A_169 = arith.constant 0 : i32
    %dma_start3A_170 = tpu.memref_slice %arg3[%dma_start3A_168, %dma_start3A_169] : memref<100000x128xf32, #tpu.memory_space<hbm>> -> memref<100000x128xf32, #tpu.memory_space<hbm>>
    tpu.enqueue_indirect_dma source(%dma_start3A_170 : memref<100000x128xf32, #tpu.memory_space<hbm>>) target(%dma_start3A_165 : memref<472x128xf32, #tpu.memory_space<vmem>>) offsets(%dma_start3A_167 : memref<472xi32, #tpu.memory_space<vmem>>) semaphore(%arg9 : memref<!tpu.dma_semaphore, #tpu.memory_space<semaphore_mem>>)
    %dma_wait3A_171 = arith.constant 0 : i32
    %dma_wait3A_172 = arith.constant 0 : i32
    %dma_wait3A_173 = tpu.memref_slice %arg6[%dma_wait3A_171, %dma_wait3A_172] : memref<472x128xf32, #tpu.memory_space<vmem>> -> memref<472x128xf32, #tpu.memory_space<vmem>>
    %dma_wait3A_174 = arith.constant 1888 : i32
    %dma_wait3A_175 = tpu.memref_slice %arg5[%dma_wait3A_174] : memref<6400xi32, #tpu.memory_space<vmem>> -> memref<472xi32, #tpu.memory_space<vmem>>
    %dma_wait3A_176 = arith.constant 0 : i32
    %dma_wait3A_177 = arith.constant 0 : i32
    %dma_wait3A_178 = tpu.memref_slice %arg3[%dma_wait3A_176, %dma_wait3A_177] : memref<100000x128xf32, #tpu.memory_space<hbm>> -> memref<100000x128xf32, #tpu.memory_space<hbm>>
    tpu.wait_indirect_dma semaphore(%arg8 : memref<!tpu.dma_semaphore, #tpu.memory_space<semaphore_mem>>) src(%dma_wait3A_178 : memref<100000x128xf32, #tpu.memory_space<hbm>>) dst(%dma_wait3A_173 : memref<472x128xf32, #tpu.memory_space<vmem>>)
    %add3A_179 = arith.constant 1888 : i32
    %add3A_180 = arith.addi %mul3A_2, %add3A_179 : i32
    %dma_start3A_181 = arith.constant 0 : i32
    %dma_start3A_182 = arith.constant 0 : i32
    %dma_start3A_183 = tpu.memref_slice %arg6[%dma_start3A_181, %dma_start3A_182] : memref<472x128xf32, #tpu.memory_space<vmem>> -> memref<472x128xf32, #tpu.memory_space<vmem>>
    %dma_start3A_184 = arith.constant 0 : i32
    %dma_start3A_185 = tpu.memref_slice %arg4[%add3A_180, %dma_start3A_184] : memref<204800x128xf32, #tpu.memory_space<hbm>> -> memref<472x128xf32, #tpu.memory_space<hbm>>
    %dma_start3A_186 = arith.constant 0 : i32
    %dma_start3A_187 = tpu.memref_slice %arg4[%add3A_180, %dma_start3A_186] : memref<204800x128xf32, #tpu.memory_space<hbm>> -> memref<472x128xf32, #tpu.memory_space<hbm>>
    %dma_start3A_188 = arith.constant 0 : i32
    %dma_start3A_189 = arith.constant 0 : i32
    %dma_start3A_190 = tpu.memref_slice %arg6[%dma_start3A_188, %dma_start3A_189] : memref<472x128xf32, #tpu.memory_space<vmem>> -> memref<472x128xf32, #tpu.memory_space<vmem>>
    tpu.enqueue_dma source(%dma_start3A_190 : memref<472x128xf32, #tpu.memory_space<vmem>>) target(%dma_start3A_187 : memref<472x128xf32, #tpu.memory_space<hbm>>) target_semaphore(%arg10 : memref<!tpu.dma_semaphore, #tpu.memory_space<semaphore_mem>>)
    %dma_wait3A_191 = arith.constant 0 : i32
    %dma_wait3A_192 = arith.constant 0 : i32
    %dma_wait3A_193 = tpu.memref_slice %arg6[%dma_wait3A_191, %dma_wait3A_192] : memref<472x128xf32, #tpu.memory_space<vmem>> -> memref<472x128xf32, #tpu.memory_space<vmem>>
    %dma_wait3A_194 = arith.constant 0 : i32
    %dma_wait3A_195 = tpu.memref_slice %arg4[%add3A_180, %dma_wait3A_194] : memref<204800x128xf32, #tpu.memory_space<hbm>> -> memref<472x128xf32, #tpu.memory_space<hbm>>
    %dma_wait3A_196 = arith.constant 0 : i32
    %dma_wait3A_197 = tpu.memref_slice %arg4[%add3A_180, %dma_wait3A_196] : memref<204800x128xf32, #tpu.memory_space<hbm>> -> memref<472x128xf32, #tpu.memory_space<hbm>>
    %dma_wait3A_198 = arith.constant 0 : i32
    %dma_wait3A_199 = arith.constant 0 : i32
    %dma_wait3A_200 = tpu.memref_slice %arg6[%dma_wait3A_198, %dma_wait3A_199] : memref<472x128xf32, #tpu.memory_space<vmem>> -> memref<472x128xf32, #tpu.memory_space<vmem>>
    tpu.wait_dma2 semaphore(%arg10 : memref<!tpu.dma_semaphore, #tpu.memory_space<semaphore_mem>>) src(%dma_wait3A_200 : memref<472x128xf32, #tpu.memory_space<vmem>>) dst(%dma_wait3A_197 : memref<472x128xf32, #tpu.memory_space<hbm>>)
    %dma_start3A_201 = arith.constant 0 : i32
    %dma_start3A_202 = arith.constant 0 : i32
    %dma_start3A_203 = tpu.memref_slice %arg6[%dma_start3A_201, %dma_start3A_202] : memref<472x128xf32, #tpu.memory_space<vmem>> -> memref<472x128xf32, #tpu.memory_space<vmem>>
    %dma_start3A_204 = arith.constant 2832 : i32
    %dma_start3A_205 = tpu.memref_slice %arg5[%dma_start3A_204] : memref<6400xi32, #tpu.memory_space<vmem>> -> memref<472xi32, #tpu.memory_space<vmem>>
    %dma_start3A_206 = arith.constant 0 : i32
    %dma_start3A_207 = arith.constant 0 : i32
    %dma_start3A_208 = tpu.memref_slice %arg3[%dma_start3A_206, %dma_start3A_207] : memref<100000x128xf32, #tpu.memory_space<hbm>> -> memref<100000x128xf32, #tpu.memory_space<hbm>>
    tpu.enqueue_indirect_dma source(%dma_start3A_208 : memref<100000x128xf32, #tpu.memory_space<hbm>>) target(%dma_start3A_203 : memref<472x128xf32, #tpu.memory_space<vmem>>) offsets(%dma_start3A_205 : memref<472xi32, #tpu.memory_space<vmem>>) semaphore(%arg8 : memref<!tpu.dma_semaphore, #tpu.memory_space<semaphore_mem>>)
    %dma_wait3A_209 = arith.constant 0 : i32
    %dma_wait3A_210 = arith.constant 0 : i32
    %dma_wait3A_211 = tpu.memref_slice %arg7[%dma_wait3A_209, %dma_wait3A_210] : memref<472x128xf32, #tpu.memory_space<vmem>> -> memref<472x128xf32, #tpu.memory_space<vmem>>
    %dma_wait3A_212 = arith.constant 2360 : i32
    %dma_wait3A_213 = tpu.memref_slice %arg5[%dma_wait3A_212] : memref<6400xi32, #tpu.memory_space<vmem>> -> memref<472xi32, #tpu.memory_space<vmem>>
    %dma_wait3A_214 = arith.constant 0 : i32
    %dma_wait3A_215 = arith.constant 0 : i32
    %dma_wait3A_216 = tpu.memref_slice %arg3[%dma_wait3A_214, %dma_wait3A_215] : memref<100000x128xf32, #tpu.memory_space<hbm>> -> memref<100000x128xf32, #tpu.memory_space<hbm>>
    tpu.wait_indirect_dma semaphore(%arg9 : memref<!tpu.dma_semaphore, #tpu.memory_space<semaphore_mem>>) src(%dma_wait3A_216 : memref<100000x128xf32, #tpu.memory_space<hbm>>) dst(%dma_wait3A_211 : memref<472x128xf32, #tpu.memory_space<vmem>>)
    %add3A_217 = arith.constant 2360 : i32
    %add3A_218 = arith.addi %mul3A_2, %add3A_217 : i32
    %dma_start3A_219 = arith.constant 0 : i32
    %dma_start3A_220 = arith.constant 0 : i32
    %dma_start3A_221 = tpu.memref_slice %arg7[%dma_start3A_219, %dma_start3A_220] : memref<472x128xf32, #tpu.memory_space<vmem>> -> memref<472x128xf32, #tpu.memory_space<vmem>>
    %dma_start3A_222 = arith.constant 0 : i32
    %dma_start3A_223 = tpu.memref_slice %arg4[%add3A_218, %dma_start3A_222] : memref<204800x128xf32, #tpu.memory_space<hbm>> -> memref<472x128xf32, #tpu.memory_space<hbm>>
    %dma_start3A_224 = arith.constant 0 : i32
    %dma_start3A_225 = tpu.memref_slice %arg4[%add3A_218, %dma_start3A_224] : memref<204800x128xf32, #tpu.memory_space<hbm>> -> memref<472x128xf32, #tpu.memory_space<hbm>>
    %dma_start3A_226 = arith.constant 0 : i32
    %dma_start3A_227 = arith.constant 0 : i32
    %dma_start3A_228 = tpu.memref_slice %arg7[%dma_start3A_226, %dma_start3A_227] : memref<472x128xf32, #tpu.memory_space<vmem>> -> memref<472x128xf32, #tpu.memory_space<vmem>>
    tpu.enqueue_dma source(%dma_start3A_228 : memref<472x128xf32, #tpu.memory_space<vmem>>) target(%dma_start3A_225 : memref<472x128xf32, #tpu.memory_space<hbm>>) target_semaphore(%arg11 : memref<!tpu.dma_semaphore, #tpu.memory_space<semaphore_mem>>)
    %dma_wait3A_229 = arith.constant 0 : i32
    %dma_wait3A_230 = arith.constant 0 : i32
    %dma_wait3A_231 = tpu.memref_slice %arg7[%dma_wait3A_229, %dma_wait3A_230] : memref<472x128xf32, #tpu.memory_space<vmem>> -> memref<472x128xf32, #tpu.memory_space<vmem>>
    %dma_wait3A_232 = arith.constant 0 : i32
    %dma_wait3A_233 = tpu.memref_slice %arg4[%add3A_218, %dma_wait3A_232] : memref<204800x128xf32, #tpu.memory_space<hbm>> -> memref<472x128xf32, #tpu.memory_space<hbm>>
    %dma_wait3A_234 = arith.constant 0 : i32
    %dma_wait3A_235 = tpu.memref_slice %arg4[%add3A_218, %dma_wait3A_234] : memref<204800x128xf32, #tpu.memory_space<hbm>> -> memref<472x128xf32, #tpu.memory_space<hbm>>
    %dma_wait3A_236 = arith.constant 0 : i32
    %dma_wait3A_237 = arith.constant 0 : i32
    %dma_wait3A_238 = tpu.memref_slice %arg7[%dma_wait3A_236, %dma_wait3A_237] : memref<472x128xf32, #tpu.memory_space<vmem>> -> memref<472x128xf32, #tpu.memory_space<vmem>>
    tpu.wait_dma2 semaphore(%arg11 : memref<!tpu.dma_semaphore, #tpu.memory_space<semaphore_mem>>) src(%dma_wait3A_238 : memref<472x128xf32, #tpu.memory_space<vmem>>) dst(%dma_wait3A_235 : memref<472x128xf32, #tpu.memory_space<hbm>>)
    %dma_start3A_239 = arith.constant 0 : i32
    %dma_start3A_240 = arith.constant 0 : i32
    %dma_start3A_241 = tpu.memref_slice %arg7[%dma_start3A_239, %dma_start3A_240] : memref<472x128xf32, #tpu.memory_space<vmem>> -> memref<472x128xf32, #tpu.memory_space<vmem>>
    %dma_start3A_242 = arith.constant 3304 : i32
    %dma_start3A_243 = tpu.memref_slice %arg5[%dma_start3A_242] : memref<6400xi32, #tpu.memory_space<vmem>> -> memref<472xi32, #tpu.memory_space<vmem>>
    %dma_start3A_244 = arith.constant 0 : i32
    %dma_start3A_245 = arith.constant 0 : i32
    %dma_start3A_246 = tpu.memref_slice %arg3[%dma_start3A_244, %dma_start3A_245] : memref<100000x128xf32, #tpu.memory_space<hbm>> -> memref<100000x128xf32, #tpu.memory_space<hbm>>
    tpu.enqueue_indirect_dma source(%dma_start3A_246 : memref<100000x128xf32, #tpu.memory_space<hbm>>) target(%dma_start3A_241 : memref<472x128xf32, #tpu.memory_space<vmem>>) offsets(%dma_start3A_243 : memref<472xi32, #tpu.memory_space<vmem>>) semaphore(%arg9 : memref<!tpu.dma_semaphore, #tpu.memory_space<semaphore_mem>>)
    %dma_wait3A_247 = arith.constant 0 : i32
    %dma_wait3A_248 = arith.constant 0 : i32
    %dma_wait3A_249 = tpu.memref_slice %arg6[%dma_wait3A_247, %dma_wait3A_248] : memref<472x128xf32, #tpu.memory_space<vmem>> -> memref<472x128xf32, #tpu.memory_space<vmem>>
    %dma_wait3A_250 = arith.constant 2832 : i32
    %dma_wait3A_251 = tpu.memref_slice %arg5[%dma_wait3A_250] : memref<6400xi32, #tpu.memory_space<vmem>> -> memref<472xi32, #tpu.memory_space<vmem>>
    %dma_wait3A_252 = arith.constant 0 : i32
    %dma_wait3A_253 = arith.constant 0 : i32
    %dma_wait3A_254 = tpu.memref_slice %arg3[%dma_wait3A_252, %dma_wait3A_253] : memref<100000x128xf32, #tpu.memory_space<hbm>> -> memref<100000x128xf32, #tpu.memory_space<hbm>>
    tpu.wait_indirect_dma semaphore(%arg8 : memref<!tpu.dma_semaphore, #tpu.memory_space<semaphore_mem>>) src(%dma_wait3A_254 : memref<100000x128xf32, #tpu.memory_space<hbm>>) dst(%dma_wait3A_249 : memref<472x128xf32, #tpu.memory_space<vmem>>)
    %add3A_255 = arith.constant 2832 : i32
    %add3A_256 = arith.addi %mul3A_2, %add3A_255 : i32
    %dma_start3A_257 = arith.constant 0 : i32
    %dma_start3A_258 = arith.constant 0 : i32
    %dma_start3A_259 = tpu.memref_slice %arg6[%dma_start3A_257, %dma_start3A_258] : memref<472x128xf32, #tpu.memory_space<vmem>> -> memref<472x128xf32, #tpu.memory_space<vmem>>
    %dma_start3A_260 = arith.constant 0 : i32
    %dma_start3A_261 = tpu.memref_slice %arg4[%add3A_256, %dma_start3A_260] : memref<204800x128xf32, #tpu.memory_space<hbm>> -> memref<472x128xf32, #tpu.memory_space<hbm>>
    %dma_start3A_262 = arith.constant 0 : i32
    %dma_start3A_263 = tpu.memref_slice %arg4[%add3A_256, %dma_start3A_262] : memref<204800x128xf32, #tpu.memory_space<hbm>> -> memref<472x128xf32, #tpu.memory_space<hbm>>
    %dma_start3A_264 = arith.constant 0 : i32
    %dma_start3A_265 = arith.constant 0 : i32
    %dma_start3A_266 = tpu.memref_slice %arg6[%dma_start3A_264, %dma_start3A_265] : memref<472x128xf32, #tpu.memory_space<vmem>> -> memref<472x128xf32, #tpu.memory_space<vmem>>
    tpu.enqueue_dma source(%dma_start3A_266 : memref<472x128xf32, #tpu.memory_space<vmem>>) target(%dma_start3A_263 : memref<472x128xf32, #tpu.memory_space<hbm>>) target_semaphore(%arg10 : memref<!tpu.dma_semaphore, #tpu.memory_space<semaphore_mem>>)
    %dma_wait3A_267 = arith.constant 0 : i32
    %dma_wait3A_268 = arith.constant 0 : i32
    %dma_wait3A_269 = tpu.memref_slice %arg6[%dma_wait3A_267, %dma_wait3A_268] : memref<472x128xf32, #tpu.memory_space<vmem>> -> memref<472x128xf32, #tpu.memory_space<vmem>>
    %dma_wait3A_270 = arith.constant 0 : i32
    %dma_wait3A_271 = tpu.memref_slice %arg4[%add3A_256, %dma_wait3A_270] : memref<204800x128xf32, #tpu.memory_space<hbm>> -> memref<472x128xf32, #tpu.memory_space<hbm>>
    %dma_wait3A_272 = arith.constant 0 : i32
    %dma_wait3A_273 = tpu.memref_slice %arg4[%add3A_256, %dma_wait3A_272] : memref<204800x128xf32, #tpu.memory_space<hbm>> -> memref<472x128xf32, #tpu.memory_space<hbm>>
    %dma_wait3A_274 = arith.constant 0 : i32
    %dma_wait3A_275 = arith.constant 0 : i32
    %dma_wait3A_276 = tpu.memref_slice %arg6[%dma_wait3A_274, %dma_wait3A_275] : memref<472x128xf32, #tpu.memory_space<vmem>> -> memref<472x128xf32, #tpu.memory_space<vmem>>
    tpu.wait_dma2 semaphore(%arg10 : memref<!tpu.dma_semaphore, #tpu.memory_space<semaphore_mem>>) src(%dma_wait3A_276 : memref<472x128xf32, #tpu.memory_space<vmem>>) dst(%dma_wait3A_273 : memref<472x128xf32, #tpu.memory_space<hbm>>)
    %dma_start3A_277 = arith.constant 0 : i32
    %dma_start3A_278 = arith.constant 0 : i32
    %dma_start3A_279 = tpu.memref_slice %arg6[%dma_start3A_277, %dma_start3A_278] : memref<472x128xf32, #tpu.memory_space<vmem>> -> memref<472x128xf32, #tpu.memory_space<vmem>>
    %dma_start3A_280 = arith.constant 3776 : i32
    %dma_start3A_281 = tpu.memref_slice %arg5[%dma_start3A_280] : memref<6400xi32, #tpu.memory_space<vmem>> -> memref<472xi32, #tpu.memory_space<vmem>>
    %dma_start3A_282 = arith.constant 0 : i32
    %dma_start3A_283 = arith.constant 0 : i32
    %dma_start3A_284 = tpu.memref_slice %arg3[%dma_start3A_282, %dma_start3A_283] : memref<100000x128xf32, #tpu.memory_space<hbm>> -> memref<100000x128xf32, #tpu.memory_space<hbm>>
    tpu.enqueue_indirect_dma source(%dma_start3A_284 : memref<100000x128xf32, #tpu.memory_space<hbm>>) target(%dma_start3A_279 : memref<472x128xf32, #tpu.memory_space<vmem>>) offsets(%dma_start3A_281 : memref<472xi32, #tpu.memory_space<vmem>>) semaphore(%arg8 : memref<!tpu.dma_semaphore, #tpu.memory_space<semaphore_mem>>)
    %dma_wait3A_285 = arith.constant 0 : i32
    %dma_wait3A_286 = arith.constant 0 : i32
    %dma_wait3A_287 = tpu.memref_slice %arg7[%dma_wait3A_285, %dma_wait3A_286] : memref<472x128xf32, #tpu.memory_space<vmem>> -> memref<472x128xf32, #tpu.memory_space<vmem>>
    %dma_wait3A_288 = arith.constant 3304 : i32
    %dma_wait3A_289 = tpu.memref_slice %arg5[%dma_wait3A_288] : memref<6400xi32, #tpu.memory_space<vmem>> -> memref<472xi32, #tpu.memory_space<vmem>>
    %dma_wait3A_290 = arith.constant 0 : i32
    %dma_wait3A_291 = arith.constant 0 : i32
    %dma_wait3A_292 = tpu.memref_slice %arg3[%dma_wait3A_290, %dma_wait3A_291] : memref<100000x128xf32, #tpu.memory_space<hbm>> -> memref<100000x128xf32, #tpu.memory_space<hbm>>
    tpu.wait_indirect_dma semaphore(%arg9 : memref<!tpu.dma_semaphore, #tpu.memory_space<semaphore_mem>>) src(%dma_wait3A_292 : memref<100000x128xf32, #tpu.memory_space<hbm>>) dst(%dma_wait3A_287 : memref<472x128xf32, #tpu.memory_space<vmem>>)
    %add3A_293 = arith.constant 3304 : i32
    %add3A_294 = arith.addi %mul3A_2, %add3A_293 : i32
    %dma_start3A_295 = arith.constant 0 : i32
    %dma_start3A_296 = arith.constant 0 : i32
    %dma_start3A_297 = tpu.memref_slice %arg7[%dma_start3A_295, %dma_start3A_296] : memref<472x128xf32, #tpu.memory_space<vmem>> -> memref<472x128xf32, #tpu.memory_space<vmem>>
    %dma_start3A_298 = arith.constant 0 : i32
    %dma_start3A_299 = tpu.memref_slice %arg4[%add3A_294, %dma_start3A_298] : memref<204800x128xf32, #tpu.memory_space<hbm>> -> memref<472x128xf32, #tpu.memory_space<hbm>>
    %dma_start3A_300 = arith.constant 0 : i32
    %dma_start3A_301 = tpu.memref_slice %arg4[%add3A_294, %dma_start3A_300] : memref<204800x128xf32, #tpu.memory_space<hbm>> -> memref<472x128xf32, #tpu.memory_space<hbm>>
    %dma_start3A_302 = arith.constant 0 : i32
    %dma_start3A_303 = arith.constant 0 : i32
    %dma_start3A_304 = tpu.memref_slice %arg7[%dma_start3A_302, %dma_start3A_303] : memref<472x128xf32, #tpu.memory_space<vmem>> -> memref<472x128xf32, #tpu.memory_space<vmem>>
    tpu.enqueue_dma source(%dma_start3A_304 : memref<472x128xf32, #tpu.memory_space<vmem>>) target(%dma_start3A_301 : memref<472x128xf32, #tpu.memory_space<hbm>>) target_semaphore(%arg11 : memref<!tpu.dma_semaphore, #tpu.memory_space<semaphore_mem>>)
    %dma_wait3A_305 = arith.constant 0 : i32
    %dma_wait3A_306 = arith.constant 0 : i32
    %dma_wait3A_307 = tpu.memref_slice %arg7[%dma_wait3A_305, %dma_wait3A_306] : memref<472x128xf32, #tpu.memory_space<vmem>> -> memref<472x128xf32, #tpu.memory_space<vmem>>
    %dma_wait3A_308 = arith.constant 0 : i32
    %dma_wait3A_309 = tpu.memref_slice %arg4[%add3A_294, %dma_wait3A_308] : memref<204800x128xf32, #tpu.memory_space<hbm>> -> memref<472x128xf32, #tpu.memory_space<hbm>>
    %dma_wait3A_310 = arith.constant 0 : i32
    %dma_wait3A_311 = tpu.memref_slice %arg4[%add3A_294, %dma_wait3A_310] : memref<204800x128xf32, #tpu.memory_space<hbm>> -> memref<472x128xf32, #tpu.memory_space<hbm>>
    %dma_wait3A_312 = arith.constant 0 : i32
    %dma_wait3A_313 = arith.constant 0 : i32
    %dma_wait3A_314 = tpu.memref_slice %arg7[%dma_wait3A_312, %dma_wait3A_313] : memref<472x128xf32, #tpu.memory_space<vmem>> -> memref<472x128xf32, #tpu.memory_space<vmem>>
    tpu.wait_dma2 semaphore(%arg11 : memref<!tpu.dma_semaphore, #tpu.memory_space<semaphore_mem>>) src(%dma_wait3A_314 : memref<472x128xf32, #tpu.memory_space<vmem>>) dst(%dma_wait3A_311 : memref<472x128xf32, #tpu.memory_space<hbm>>)
    %dma_start3A_315 = arith.constant 0 : i32
    %dma_start3A_316 = arith.constant 0 : i32
    %dma_start3A_317 = tpu.memref_slice %arg7[%dma_start3A_315, %dma_start3A_316] : memref<472x128xf32, #tpu.memory_space<vmem>> -> memref<472x128xf32, #tpu.memory_space<vmem>>
    %dma_start3A_318 = arith.constant 4248 : i32
    %dma_start3A_319 = tpu.memref_slice %arg5[%dma_start3A_318] : memref<6400xi32, #tpu.memory_space<vmem>> -> memref<472xi32, #tpu.memory_space<vmem>>
    %dma_start3A_320 = arith.constant 0 : i32
    %dma_start3A_321 = arith.constant 0 : i32
    %dma_start3A_322 = tpu.memref_slice %arg3[%dma_start3A_320, %dma_start3A_321] : memref<100000x128xf32, #tpu.memory_space<hbm>> -> memref<100000x128xf32, #tpu.memory_space<hbm>>
    tpu.enqueue_indirect_dma source(%dma_start3A_322 : memref<100000x128xf32, #tpu.memory_space<hbm>>) target(%dma_start3A_317 : memref<472x128xf32, #tpu.memory_space<vmem>>) offsets(%dma_start3A_319 : memref<472xi32, #tpu.memory_space<vmem>>) semaphore(%arg9 : memref<!tpu.dma_semaphore, #tpu.memory_space<semaphore_mem>>)
    %dma_wait3A_323 = arith.constant 0 : i32
    %dma_wait3A_324 = arith.constant 0 : i32
    %dma_wait3A_325 = tpu.memref_slice %arg6[%dma_wait3A_323, %dma_wait3A_324] : memref<472x128xf32, #tpu.memory_space<vmem>> -> memref<472x128xf32, #tpu.memory_space<vmem>>
    %dma_wait3A_326 = arith.constant 3776 : i32
    %dma_wait3A_327 = tpu.memref_slice %arg5[%dma_wait3A_326] : memref<6400xi32, #tpu.memory_space<vmem>> -> memref<472xi32, #tpu.memory_space<vmem>>
    %dma_wait3A_328 = arith.constant 0 : i32
    %dma_wait3A_329 = arith.constant 0 : i32
    %dma_wait3A_330 = tpu.memref_slice %arg3[%dma_wait3A_328, %dma_wait3A_329] : memref<100000x128xf32, #tpu.memory_space<hbm>> -> memref<100000x128xf32, #tpu.memory_space<hbm>>
    tpu.wait_indirect_dma semaphore(%arg8 : memref<!tpu.dma_semaphore, #tpu.memory_space<semaphore_mem>>) src(%dma_wait3A_330 : memref<100000x128xf32, #tpu.memory_space<hbm>>) dst(%dma_wait3A_325 : memref<472x128xf32, #tpu.memory_space<vmem>>)
    %add3A_331 = arith.constant 3776 : i32
    %add3A_332 = arith.addi %mul3A_2, %add3A_331 : i32
    %dma_start3A_333 = arith.constant 0 : i32
    %dma_start3A_334 = arith.constant 0 : i32
    %dma_start3A_335 = tpu.memref_slice %arg6[%dma_start3A_333, %dma_start3A_334] : memref<472x128xf32, #tpu.memory_space<vmem>> -> memref<472x128xf32, #tpu.memory_space<vmem>>
    %dma_start3A_336 = arith.constant 0 : i32
    %dma_start3A_337 = tpu.memref_slice %arg4[%add3A_332, %dma_start3A_336] : memref<204800x128xf32, #tpu.memory_space<hbm>> -> memref<472x128xf32, #tpu.memory_space<hbm>>
    %dma_start3A_338 = arith.constant 0 : i32
    %dma_start3A_339 = tpu.memref_slice %arg4[%add3A_332, %dma_start3A_338] : memref<204800x128xf32, #tpu.memory_space<hbm>> -> memref<472x128xf32, #tpu.memory_space<hbm>>
    %dma_start3A_340 = arith.constant 0 : i32
    %dma_start3A_341 = arith.constant 0 : i32
    %dma_start3A_342 = tpu.memref_slice %arg6[%dma_start3A_340, %dma_start3A_341] : memref<472x128xf32, #tpu.memory_space<vmem>> -> memref<472x128xf32, #tpu.memory_space<vmem>>
    tpu.enqueue_dma source(%dma_start3A_342 : memref<472x128xf32, #tpu.memory_space<vmem>>) target(%dma_start3A_339 : memref<472x128xf32, #tpu.memory_space<hbm>>) target_semaphore(%arg10 : memref<!tpu.dma_semaphore, #tpu.memory_space<semaphore_mem>>)
    %dma_wait3A_343 = arith.constant 0 : i32
    %dma_wait3A_344 = arith.constant 0 : i32
    %dma_wait3A_345 = tpu.memref_slice %arg6[%dma_wait3A_343, %dma_wait3A_344] : memref<472x128xf32, #tpu.memory_space<vmem>> -> memref<472x128xf32, #tpu.memory_space<vmem>>
    %dma_wait3A_346 = arith.constant 0 : i32
    %dma_wait3A_347 = tpu.memref_slice %arg4[%add3A_332, %dma_wait3A_346] : memref<204800x128xf32, #tpu.memory_space<hbm>> -> memref<472x128xf32, #tpu.memory_space<hbm>>
    %dma_wait3A_348 = arith.constant 0 : i32
    %dma_wait3A_349 = tpu.memref_slice %arg4[%add3A_332, %dma_wait3A_348] : memref<204800x128xf32, #tpu.memory_space<hbm>> -> memref<472x128xf32, #tpu.memory_space<hbm>>
    %dma_wait3A_350 = arith.constant 0 : i32
    %dma_wait3A_351 = arith.constant 0 : i32
    %dma_wait3A_352 = tpu.memref_slice %arg6[%dma_wait3A_350, %dma_wait3A_351] : memref<472x128xf32, #tpu.memory_space<vmem>> -> memref<472x128xf32, #tpu.memory_space<vmem>>
    tpu.wait_dma2 semaphore(%arg10 : memref<!tpu.dma_semaphore, #tpu.memory_space<semaphore_mem>>) src(%dma_wait3A_352 : memref<472x128xf32, #tpu.memory_space<vmem>>) dst(%dma_wait3A_349 : memref<472x128xf32, #tpu.memory_space<hbm>>)
    %dma_start3A_353 = arith.constant 0 : i32
    %dma_start3A_354 = arith.constant 0 : i32
    %dma_start3A_355 = tpu.memref_slice %arg6[%dma_start3A_353, %dma_start3A_354] : memref<472x128xf32, #tpu.memory_space<vmem>> -> memref<472x128xf32, #tpu.memory_space<vmem>>
    %dma_start3A_356 = arith.constant 4720 : i32
    %dma_start3A_357 = tpu.memref_slice %arg5[%dma_start3A_356] : memref<6400xi32, #tpu.memory_space<vmem>> -> memref<472xi32, #tpu.memory_space<vmem>>
    %dma_start3A_358 = arith.constant 0 : i32
    %dma_start3A_359 = arith.constant 0 : i32
    %dma_start3A_360 = tpu.memref_slice %arg3[%dma_start3A_358, %dma_start3A_359] : memref<100000x128xf32, #tpu.memory_space<hbm>> -> memref<100000x128xf32, #tpu.memory_space<hbm>>
    tpu.enqueue_indirect_dma source(%dma_start3A_360 : memref<100000x128xf32, #tpu.memory_space<hbm>>) target(%dma_start3A_355 : memref<472x128xf32, #tpu.memory_space<vmem>>) offsets(%dma_start3A_357 : memref<472xi32, #tpu.memory_space<vmem>>) semaphore(%arg8 : memref<!tpu.dma_semaphore, #tpu.memory_space<semaphore_mem>>)
    %dma_wait3A_361 = arith.constant 0 : i32
    %dma_wait3A_362 = arith.constant 0 : i32
    %dma_wait3A_363 = tpu.memref_slice %arg7[%dma_wait3A_361, %dma_wait3A_362] : memref<472x128xf32, #tpu.memory_space<vmem>> -> memref<472x128xf32, #tpu.memory_space<vmem>>
    %dma_wait3A_364 = arith.constant 4248 : i32
    %dma_wait3A_365 = tpu.memref_slice %arg5[%dma_wait3A_364] : memref<6400xi32, #tpu.memory_space<vmem>> -> memref<472xi32, #tpu.memory_space<vmem>>
    %dma_wait3A_366 = arith.constant 0 : i32
    %dma_wait3A_367 = arith.constant 0 : i32
    %dma_wait3A_368 = tpu.memref_slice %arg3[%dma_wait3A_366, %dma_wait3A_367] : memref<100000x128xf32, #tpu.memory_space<hbm>> -> memref<100000x128xf32, #tpu.memory_space<hbm>>
    tpu.wait_indirect_dma semaphore(%arg9 : memref<!tpu.dma_semaphore, #tpu.memory_space<semaphore_mem>>) src(%dma_wait3A_368 : memref<100000x128xf32, #tpu.memory_space<hbm>>) dst(%dma_wait3A_363 : memref<472x128xf32, #tpu.memory_space<vmem>>)
    %add3A_369 = arith.constant 4248 : i32
    %add3A_370 = arith.addi %mul3A_2, %add3A_369 : i32
    %dma_start3A_371 = arith.constant 0 : i32
    %dma_start3A_372 = arith.constant 0 : i32
    %dma_start3A_373 = tpu.memref_slice %arg7[%dma_start3A_371, %dma_start3A_372] : memref<472x128xf32, #tpu.memory_space<vmem>> -> memref<472x128xf32, #tpu.memory_space<vmem>>
    %dma_start3A_374 = arith.constant 0 : i32
    %dma_start3A_375 = tpu.memref_slice %arg4[%add3A_370, %dma_start3A_374] : memref<204800x128xf32, #tpu.memory_space<hbm>> -> memref<472x128xf32, #tpu.memory_space<hbm>>
    %dma_start3A_376 = arith.constant 0 : i32
    %dma_start3A_377 = tpu.memref_slice %arg4[%add3A_370, %dma_start3A_376] : memref<204800x128xf32, #tpu.memory_space<hbm>> -> memref<472x128xf32, #tpu.memory_space<hbm>>
    %dma_start3A_378 = arith.constant 0 : i32
    %dma_start3A_379 = arith.constant 0 : i32
    %dma_start3A_380 = tpu.memref_slice %arg7[%dma_start3A_378, %dma_start3A_379] : memref<472x128xf32, #tpu.memory_space<vmem>> -> memref<472x128xf32, #tpu.memory_space<vmem>>
    tpu.enqueue_dma source(%dma_start3A_380 : memref<472x128xf32, #tpu.memory_space<vmem>>) target(%dma_start3A_377 : memref<472x128xf32, #tpu.memory_space<hbm>>) target_semaphore(%arg11 : memref<!tpu.dma_semaphore, #tpu.memory_space<semaphore_mem>>)
    %dma_wait3A_381 = arith.constant 0 : i32
    %dma_wait3A_382 = arith.constant 0 : i32
    %dma_wait3A_383 = tpu.memref_slice %arg7[%dma_wait3A_381, %dma_wait3A_382] : memref<472x128xf32, #tpu.memory_space<vmem>> -> memref<472x128xf32, #tpu.memory_space<vmem>>
    %dma_wait3A_384 = arith.constant 0 : i32
    %dma_wait3A_385 = tpu.memref_slice %arg4[%add3A_370, %dma_wait3A_384] : memref<204800x128xf32, #tpu.memory_space<hbm>> -> memref<472x128xf32, #tpu.memory_space<hbm>>
    %dma_wait3A_386 = arith.constant 0 : i32
    %dma_wait3A_387 = tpu.memref_slice %arg4[%add3A_370, %dma_wait3A_386] : memref<204800x128xf32, #tpu.memory_space<hbm>> -> memref<472x128xf32, #tpu.memory_space<hbm>>
    %dma_wait3A_388 = arith.constant 0 : i32
    %dma_wait3A_389 = arith.constant 0 : i32
    %dma_wait3A_390 = tpu.memref_slice %arg7[%dma_wait3A_388, %dma_wait3A_389] : memref<472x128xf32, #tpu.memory_space<vmem>> -> memref<472x128xf32, #tpu.memory_space<vmem>>
    tpu.wait_dma2 semaphore(%arg11 : memref<!tpu.dma_semaphore, #tpu.memory_space<semaphore_mem>>) src(%dma_wait3A_390 : memref<472x128xf32, #tpu.memory_space<vmem>>) dst(%dma_wait3A_387 : memref<472x128xf32, #tpu.memory_space<hbm>>)
    %dma_start3A_391 = arith.constant 0 : i32
    %dma_start3A_392 = arith.constant 0 : i32
    %dma_start3A_393 = tpu.memref_slice %arg7[%dma_start3A_391, %dma_start3A_392] : memref<472x128xf32, #tpu.memory_space<vmem>> -> memref<472x128xf32, #tpu.memory_space<vmem>>
    %dma_start3A_394 = arith.constant 5192 : i32
    %dma_start3A_395 = tpu.memref_slice %arg5[%dma_start3A_394] : memref<6400xi32, #tpu.memory_space<vmem>> -> memref<472xi32, #tpu.memory_space<vmem>>
    %dma_start3A_396 = arith.constant 0 : i32
    %dma_start3A_397 = arith.constant 0 : i32
    %dma_start3A_398 = tpu.memref_slice %arg3[%dma_start3A_396, %dma_start3A_397] : memref<100000x128xf32, #tpu.memory_space<hbm>> -> memref<100000x128xf32, #tpu.memory_space<hbm>>
    tpu.enqueue_indirect_dma source(%dma_start3A_398 : memref<100000x128xf32, #tpu.memory_space<hbm>>) target(%dma_start3A_393 : memref<472x128xf32, #tpu.memory_space<vmem>>) offsets(%dma_start3A_395 : memref<472xi32, #tpu.memory_space<vmem>>) semaphore(%arg9 : memref<!tpu.dma_semaphore, #tpu.memory_space<semaphore_mem>>)
    %dma_wait3A_399 = arith.constant 0 : i32
    %dma_wait3A_400 = arith.constant 0 : i32
    %dma_wait3A_401 = tpu.memref_slice %arg6[%dma_wait3A_399, %dma_wait3A_400] : memref<472x128xf32, #tpu.memory_space<vmem>> -> memref<472x128xf32, #tpu.memory_space<vmem>>
    %dma_wait3A_402 = arith.constant 4720 : i32
    %dma_wait3A_403 = tpu.memref_slice %arg5[%dma_wait3A_402] : memref<6400xi32, #tpu.memory_space<vmem>> -> memref<472xi32, #tpu.memory_space<vmem>>
    %dma_wait3A_404 = arith.constant 0 : i32
    %dma_wait3A_405 = arith.constant 0 : i32
    %dma_wait3A_406 = tpu.memref_slice %arg3[%dma_wait3A_404, %dma_wait3A_405] : memref<100000x128xf32, #tpu.memory_space<hbm>> -> memref<100000x128xf32, #tpu.memory_space<hbm>>
    tpu.wait_indirect_dma semaphore(%arg8 : memref<!tpu.dma_semaphore, #tpu.memory_space<semaphore_mem>>) src(%dma_wait3A_406 : memref<100000x128xf32, #tpu.memory_space<hbm>>) dst(%dma_wait3A_401 : memref<472x128xf32, #tpu.memory_space<vmem>>)
    %add3A_407 = arith.constant 4720 : i32
    %add3A_408 = arith.addi %mul3A_2, %add3A_407 : i32
    %dma_start3A_409 = arith.constant 0 : i32
    %dma_start3A_410 = arith.constant 0 : i32
    %dma_start3A_411 = tpu.memref_slice %arg6[%dma_start3A_409, %dma_start3A_410] : memref<472x128xf32, #tpu.memory_space<vmem>> -> memref<472x128xf32, #tpu.memory_space<vmem>>
    %dma_start3A_412 = arith.constant 0 : i32
    %dma_start3A_413 = tpu.memref_slice %arg4[%add3A_408, %dma_start3A_412] : memref<204800x128xf32, #tpu.memory_space<hbm>> -> memref<472x128xf32, #tpu.memory_space<hbm>>
    %dma_start3A_414 = arith.constant 0 : i32
    %dma_start3A_415 = tpu.memref_slice %arg4[%add3A_408, %dma_start3A_414] : memref<204800x128xf32, #tpu.memory_space<hbm>> -> memref<472x128xf32, #tpu.memory_space<hbm>>
    %dma_start3A_416 = arith.constant 0 : i32
    %dma_start3A_417 = arith.constant 0 : i32
    %dma_start3A_418 = tpu.memref_slice %arg6[%dma_start3A_416, %dma_start3A_417] : memref<472x128xf32, #tpu.memory_space<vmem>> -> memref<472x128xf32, #tpu.memory_space<vmem>>
    tpu.enqueue_dma source(%dma_start3A_418 : memref<472x128xf32, #tpu.memory_space<vmem>>) target(%dma_start3A_415 : memref<472x128xf32, #tpu.memory_space<hbm>>) target_semaphore(%arg10 : memref<!tpu.dma_semaphore, #tpu.memory_space<semaphore_mem>>)
    %dma_wait3A_419 = arith.constant 0 : i32
    %dma_wait3A_420 = arith.constant 0 : i32
    %dma_wait3A_421 = tpu.memref_slice %arg6[%dma_wait3A_419, %dma_wait3A_420] : memref<472x128xf32, #tpu.memory_space<vmem>> -> memref<472x128xf32, #tpu.memory_space<vmem>>
    %dma_wait3A_422 = arith.constant 0 : i32
    %dma_wait3A_423 = tpu.memref_slice %arg4[%add3A_408, %dma_wait3A_422] : memref<204800x128xf32, #tpu.memory_space<hbm>> -> memref<472x128xf32, #tpu.memory_space<hbm>>
    %dma_wait3A_424 = arith.constant 0 : i32
    %dma_wait3A_425 = tpu.memref_slice %arg4[%add3A_408, %dma_wait3A_424] : memref<204800x128xf32, #tpu.memory_space<hbm>> -> memref<472x128xf32, #tpu.memory_space<hbm>>
    %dma_wait3A_426 = arith.constant 0 : i32
    %dma_wait3A_427 = arith.constant 0 : i32
    %dma_wait3A_428 = tpu.memref_slice %arg6[%dma_wait3A_426, %dma_wait3A_427] : memref<472x128xf32, #tpu.memory_space<vmem>> -> memref<472x128xf32, #tpu.memory_space<vmem>>
    tpu.wait_dma2 semaphore(%arg10 : memref<!tpu.dma_semaphore, #tpu.memory_space<semaphore_mem>>) src(%dma_wait3A_428 : memref<472x128xf32, #tpu.memory_space<vmem>>) dst(%dma_wait3A_425 : memref<472x128xf32, #tpu.memory_space<hbm>>)
    %dma_start3A_429 = arith.constant 0 : i32
    %dma_start3A_430 = arith.constant 0 : i32
    %dma_start3A_431 = tpu.memref_slice %arg6[%dma_start3A_429, %dma_start3A_430] : memref<472x128xf32, #tpu.memory_space<vmem>> -> memref<472x128xf32, #tpu.memory_space<vmem>>
    %dma_start3A_432 = arith.constant 5664 : i32
    %dma_start3A_433 = tpu.memref_slice %arg5[%dma_start3A_432] : memref<6400xi32, #tpu.memory_space<vmem>> -> memref<472xi32, #tpu.memory_space<vmem>>
    %dma_start3A_434 = arith.constant 0 : i32
    %dma_start3A_435 = arith.constant 0 : i32
    %dma_start3A_436 = tpu.memref_slice %arg3[%dma_start3A_434, %dma_start3A_435] : memref<100000x128xf32, #tpu.memory_space<hbm>> -> memref<100000x128xf32, #tpu.memory_space<hbm>>
    tpu.enqueue_indirect_dma source(%dma_start3A_436 : memref<100000x128xf32, #tpu.memory_space<hbm>>) target(%dma_start3A_431 : memref<472x128xf32, #tpu.memory_space<vmem>>) offsets(%dma_start3A_433 : memref<472xi32, #tpu.memory_space<vmem>>) semaphore(%arg8 : memref<!tpu.dma_semaphore, #tpu.memory_space<semaphore_mem>>)
    %dma_wait3A_437 = arith.constant 0 : i32
    %dma_wait3A_438 = arith.constant 0 : i32
    %dma_wait3A_439 = tpu.memref_slice %arg7[%dma_wait3A_437, %dma_wait3A_438] : memref<472x128xf32, #tpu.memory_space<vmem>> -> memref<472x128xf32, #tpu.memory_space<vmem>>
    %dma_wait3A_440 = arith.constant 5192 : i32
    %dma_wait3A_441 = tpu.memref_slice %arg5[%dma_wait3A_440] : memref<6400xi32, #tpu.memory_space<vmem>> -> memref<472xi32, #tpu.memory_space<vmem>>
    %dma_wait3A_442 = arith.constant 0 : i32
    %dma_wait3A_443 = arith.constant 0 : i32
    %dma_wait3A_444 = tpu.memref_slice %arg3[%dma_wait3A_442, %dma_wait3A_443] : memref<100000x128xf32, #tpu.memory_space<hbm>> -> memref<100000x128xf32, #tpu.memory_space<hbm>>
    tpu.wait_indirect_dma semaphore(%arg9 : memref<!tpu.dma_semaphore, #tpu.memory_space<semaphore_mem>>) src(%dma_wait3A_444 : memref<100000x128xf32, #tpu.memory_space<hbm>>) dst(%dma_wait3A_439 : memref<472x128xf32, #tpu.memory_space<vmem>>)
    %add3A_445 = arith.constant 5192 : i32
    %add3A_446 = arith.addi %mul3A_2, %add3A_445 : i32
    %dma_start3A_447 = arith.constant 0 : i32
    %dma_start3A_448 = arith.constant 0 : i32
    %dma_start3A_449 = tpu.memref_slice %arg7[%dma_start3A_447, %dma_start3A_448] : memref<472x128xf32, #tpu.memory_space<vmem>> -> memref<472x128xf32, #tpu.memory_space<vmem>>
    %dma_start3A_450 = arith.constant 0 : i32
    %dma_start3A_451 = tpu.memref_slice %arg4[%add3A_446, %dma_start3A_450] : memref<204800x128xf32, #tpu.memory_space<hbm>> -> memref<472x128xf32, #tpu.memory_space<hbm>>
    %dma_start3A_452 = arith.constant 0 : i32
    %dma_start3A_453 = tpu.memref_slice %arg4[%add3A_446, %dma_start3A_452] : memref<204800x128xf32, #tpu.memory_space<hbm>> -> memref<472x128xf32, #tpu.memory_space<hbm>>
    %dma_start3A_454 = arith.constant 0 : i32
    %dma_start3A_455 = arith.constant 0 : i32
    %dma_start3A_456 = tpu.memref_slice %arg7[%dma_start3A_454, %dma_start3A_455] : memref<472x128xf32, #tpu.memory_space<vmem>> -> memref<472x128xf32, #tpu.memory_space<vmem>>
    tpu.enqueue_dma source(%dma_start3A_456 : memref<472x128xf32, #tpu.memory_space<vmem>>) target(%dma_start3A_453 : memref<472x128xf32, #tpu.memory_space<hbm>>) target_semaphore(%arg11 : memref<!tpu.dma_semaphore, #tpu.memory_space<semaphore_mem>>)
    %dma_wait3A_457 = arith.constant 0 : i32
    %dma_wait3A_458 = arith.constant 0 : i32
    %dma_wait3A_459 = tpu.memref_slice %arg7[%dma_wait3A_457, %dma_wait3A_458] : memref<472x128xf32, #tpu.memory_space<vmem>> -> memref<472x128xf32, #tpu.memory_space<vmem>>
    %dma_wait3A_460 = arith.constant 0 : i32
    %dma_wait3A_461 = tpu.memref_slice %arg4[%add3A_446, %dma_wait3A_460] : memref<204800x128xf32, #tpu.memory_space<hbm>> -> memref<472x128xf32, #tpu.memory_space<hbm>>
    %dma_wait3A_462 = arith.constant 0 : i32
    %dma_wait3A_463 = tpu.memref_slice %arg4[%add3A_446, %dma_wait3A_462] : memref<204800x128xf32, #tpu.memory_space<hbm>> -> memref<472x128xf32, #tpu.memory_space<hbm>>
    %dma_wait3A_464 = arith.constant 0 : i32
    %dma_wait3A_465 = arith.constant 0 : i32
    %dma_wait3A_466 = tpu.memref_slice %arg7[%dma_wait3A_464, %dma_wait3A_465] : memref<472x128xf32, #tpu.memory_space<vmem>> -> memref<472x128xf32, #tpu.memory_space<vmem>>
    tpu.wait_dma2 semaphore(%arg11 : memref<!tpu.dma_semaphore, #tpu.memory_space<semaphore_mem>>) src(%dma_wait3A_466 : memref<472x128xf32, #tpu.memory_space<vmem>>) dst(%dma_wait3A_463 : memref<472x128xf32, #tpu.memory_space<hbm>>)
    %dma_start3A_467 = arith.constant 0 : i32
    %dma_start3A_468 = arith.constant 0 : i32
    %dma_start3A_469 = tpu.memref_slice %arg7[%dma_start3A_467, %dma_start3A_468] : memref<472x128xf32, #tpu.memory_space<vmem>> -> memref<264x128xf32, #tpu.memory_space<vmem>>
    %dma_start3A_470 = arith.constant 6136 : i32
    %dma_start3A_471 = tpu.memref_slice %arg5[%dma_start3A_470] : memref<6400xi32, #tpu.memory_space<vmem>> -> memref<264xi32, #tpu.memory_space<vmem>>
    %dma_start3A_472 = arith.constant 0 : i32
    %dma_start3A_473 = arith.constant 0 : i32
    %dma_start3A_474 = tpu.memref_slice %arg3[%dma_start3A_472, %dma_start3A_473] : memref<100000x128xf32, #tpu.memory_space<hbm>> -> memref<100000x128xf32, #tpu.memory_space<hbm>>
    tpu.enqueue_indirect_dma source(%dma_start3A_474 : memref<100000x128xf32, #tpu.memory_space<hbm>>) target(%dma_start3A_469 : memref<264x128xf32, #tpu.memory_space<vmem>>) offsets(%dma_start3A_471 : memref<264xi32, #tpu.memory_space<vmem>>) semaphore(%arg9 : memref<!tpu.dma_semaphore, #tpu.memory_space<semaphore_mem>>)
    %dma_wait3A_475 = arith.constant 0 : i32
    %dma_wait3A_476 = arith.constant 0 : i32
    %dma_wait3A_477 = tpu.memref_slice %arg6[%dma_wait3A_475, %dma_wait3A_476] : memref<472x128xf32, #tpu.memory_space<vmem>> -> memref<472x128xf32, #tpu.memory_space<vmem>>
    %dma_wait3A_478 = arith.constant 5664 : i32
    %dma_wait3A_479 = tpu.memref_slice %arg5[%dma_wait3A_478] : memref<6400xi32, #tpu.memory_space<vmem>> -> memref<472xi32, #tpu.memory_space<vmem>>
    %dma_wait3A_480 = arith.constant 0 : i32
    %dma_wait3A_481 = arith.constant 0 : i32
    %dma_wait3A_482 = tpu.memref_slice %arg3[%dma_wait3A_480, %dma_wait3A_481] : memref<100000x128xf32, #tpu.memory_space<hbm>> -> memref<100000x128xf32, #tpu.memory_space<hbm>>
    tpu.wait_indirect_dma semaphore(%arg8 : memref<!tpu.dma_semaphore, #tpu.memory_space<semaphore_mem>>) src(%dma_wait3A_482 : memref<100000x128xf32, #tpu.memory_space<hbm>>) dst(%dma_wait3A_477 : memref<472x128xf32, #tpu.memory_space<vmem>>)
    %add3A_483 = arith.constant 5664 : i32
    %add3A_484 = arith.addi %mul3A_2, %add3A_483 : i32
    %dma_start3A_485 = arith.constant 0 : i32
    %dma_start3A_486 = arith.constant 0 : i32
    %dma_start3A_487 = tpu.memref_slice %arg6[%dma_start3A_485, %dma_start3A_486] : memref<472x128xf32, #tpu.memory_space<vmem>> -> memref<472x128xf32, #tpu.memory_space<vmem>>
    %dma_start3A_488 = arith.constant 0 : i32
    %dma_start3A_489 = tpu.memref_slice %arg4[%add3A_484, %dma_start3A_488] : memref<204800x128xf32, #tpu.memory_space<hbm>> -> memref<472x128xf32, #tpu.memory_space<hbm>>
    %dma_start3A_490 = arith.constant 0 : i32
    %dma_start3A_491 = tpu.memref_slice %arg4[%add3A_484, %dma_start3A_490] : memref<204800x128xf32, #tpu.memory_space<hbm>> -> memref<472x128xf32, #tpu.memory_space<hbm>>
    %dma_start3A_492 = arith.constant 0 : i32
    %dma_start3A_493 = arith.constant 0 : i32
    %dma_start3A_494 = tpu.memref_slice %arg6[%dma_start3A_492, %dma_start3A_493] : memref<472x128xf32, #tpu.memory_space<vmem>> -> memref<472x128xf32, #tpu.memory_space<vmem>>
    tpu.enqueue_dma source(%dma_start3A_494 : memref<472x128xf32, #tpu.memory_space<vmem>>) target(%dma_start3A_491 : memref<472x128xf32, #tpu.memory_space<hbm>>) target_semaphore(%arg10 : memref<!tpu.dma_semaphore, #tpu.memory_space<semaphore_mem>>)
    %dma_wait3A_495 = arith.constant 0 : i32
    %dma_wait3A_496 = arith.constant 0 : i32
    %dma_wait3A_497 = tpu.memref_slice %arg7[%dma_wait3A_495, %dma_wait3A_496] : memref<472x128xf32, #tpu.memory_space<vmem>> -> memref<264x128xf32, #tpu.memory_space<vmem>>
    %dma_wait3A_498 = arith.constant 6136 : i32
    %dma_wait3A_499 = tpu.memref_slice %arg5[%dma_wait3A_498] : memref<6400xi32, #tpu.memory_space<vmem>> -> memref<264xi32, #tpu.memory_space<vmem>>
    %dma_wait3A_500 = arith.constant 0 : i32
    %dma_wait3A_501 = arith.constant 0 : i32
    %dma_wait3A_502 = tpu.memref_slice %arg3[%dma_wait3A_500, %dma_wait3A_501] : memref<100000x128xf32, #tpu.memory_space<hbm>> -> memref<100000x128xf32, #tpu.memory_space<hbm>>
    tpu.wait_indirect_dma semaphore(%arg9 : memref<!tpu.dma_semaphore, #tpu.memory_space<semaphore_mem>>) src(%dma_wait3A_502 : memref<100000x128xf32, #tpu.memory_space<hbm>>) dst(%dma_wait3A_497 : memref<264x128xf32, #tpu.memory_space<vmem>>)
    %add3A_503 = arith.constant 6136 : i32
    %add3A_504 = arith.addi %mul3A_2, %add3A_503 : i32
    %dma_start3A_505 = arith.constant 0 : i32
    %dma_start3A_506 = arith.constant 0 : i32
    %dma_start3A_507 = tpu.memref_slice %arg7[%dma_start3A_505, %dma_start3A_506] : memref<472x128xf32, #tpu.memory_space<vmem>> -> memref<264x128xf32, #tpu.memory_space<vmem>>
    %dma_start3A_508 = arith.constant 0 : i32
    %dma_start3A_509 = tpu.memref_slice %arg4[%add3A_504, %dma_start3A_508] : memref<204800x128xf32, #tpu.memory_space<hbm>> -> memref<264x128xf32, #tpu.memory_space<hbm>>
    %dma_start3A_510 = arith.constant 0 : i32
    %dma_start3A_511 = tpu.memref_slice %arg4[%add3A_504, %dma_start3A_510] : memref<204800x128xf32, #tpu.memory_space<hbm>> -> memref<264x128xf32, #tpu.memory_space<hbm>>
    %dma_start3A_512 = arith.constant 0 : i32
    %dma_start3A_513 = arith.constant 0 : i32
    %dma_start3A_514 = tpu.memref_slice %arg7[%dma_start3A_512, %dma_start3A_513] : memref<472x128xf32, #tpu.memory_space<vmem>> -> memref<264x128xf32, #tpu.memory_space<vmem>>
    tpu.enqueue_dma source(%dma_start3A_514 : memref<264x128xf32, #tpu.memory_space<vmem>>) target(%dma_start3A_511 : memref<264x128xf32, #tpu.memory_space<hbm>>) target_semaphore(%arg11 : memref<!tpu.dma_semaphore, #tpu.memory_space<semaphore_mem>>)
    %dma_wait3A_515 = arith.constant 0 : i32
    %dma_wait3A_516 = arith.constant 0 : i32
    %dma_wait3A_517 = tpu.memref_slice %arg6[%dma_wait3A_515, %dma_wait3A_516] : memref<472x128xf32, #tpu.memory_space<vmem>> -> memref<472x128xf32, #tpu.memory_space<vmem>>
    %dma_wait3A_518 = arith.constant 0 : i32
    %dma_wait3A_519 = tpu.memref_slice %arg4[%add3A_484, %dma_wait3A_518] : memref<204800x128xf32, #tpu.memory_space<hbm>> -> memref<472x128xf32, #tpu.memory_space<hbm>>
    %dma_wait3A_520 = arith.constant 0 : i32
    %dma_wait3A_521 = tpu.memref_slice %arg4[%add3A_484, %dma_wait3A_520] : memref<204800x128xf32, #tpu.memory_space<hbm>> -> memref<472x128xf32, #tpu.memory_space<hbm>>
    %dma_wait3A_522 = arith.constant 0 : i32
    %dma_wait3A_523 = arith.constant 0 : i32
    %dma_wait3A_524 = tpu.memref_slice %arg6[%dma_wait3A_522, %dma_wait3A_523] : memref<472x128xf32, #tpu.memory_space<vmem>> -> memref<472x128xf32, #tpu.memory_space<vmem>>
    tpu.wait_dma2 semaphore(%arg10 : memref<!tpu.dma_semaphore, #tpu.memory_space<semaphore_mem>>) src(%dma_wait3A_524 : memref<472x128xf32, #tpu.memory_space<vmem>>) dst(%dma_wait3A_521 : memref<472x128xf32, #tpu.memory_space<hbm>>)
    %dma_wait3A_525 = arith.constant 0 : i32
    %dma_wait3A_526 = arith.constant 0 : i32
    %dma_wait3A_527 = tpu.memref_slice %arg7[%dma_wait3A_525, %dma_wait3A_526] : memref<472x128xf32, #tpu.memory_space<vmem>> -> memref<264x128xf32, #tpu.memory_space<vmem>>
    %dma_wait3A_528 = arith.constant 0 : i32
    %dma_wait3A_529 = tpu.memref_slice %arg4[%add3A_504, %dma_wait3A_528] : memref<204800x128xf32, #tpu.memory_space<hbm>> -> memref<264x128xf32, #tpu.memory_space<hbm>>
    %dma_wait3A_530 = arith.constant 0 : i32
    %dma_wait3A_531 = tpu.memref_slice %arg4[%add3A_504, %dma_wait3A_530] : memref<204800x128xf32, #tpu.memory_space<hbm>> -> memref<264x128xf32, #tpu.memory_space<hbm>>
    %dma_wait3A_532 = arith.constant 0 : i32
    %dma_wait3A_533 = arith.constant 0 : i32
    %dma_wait3A_534 = tpu.memref_slice %arg7[%dma_wait3A_532, %dma_wait3A_533] : memref<472x128xf32, #tpu.memory_space<vmem>> -> memref<264x128xf32, #tpu.memory_space<vmem>>
    tpu.wait_dma2 semaphore(%arg11 : memref<!tpu.dma_semaphore, #tpu.memory_space<semaphore_mem>>) src(%dma_wait3A_534 : memref<264x128xf32, #tpu.memory_space<vmem>>) dst(%dma_wait3A_531 : memref<264x128xf32, #tpu.memory_space<hbm>>)
    return
  }
}

</mosaic_0001>

<sc_bundles>
// kernel: kernel.3.cloned.1.call-start
scs
__scs_entry_jumppad:
0x0: {  	(pc) =	sbr.rel $0x88, $3  }
0x1: {  	(tag) =	ssettag $0x0;
	lr =	simm.s32 $0x1  }
0x2: {  	[smem:$0x3F9F] =	sst lr;
	_ =	strace $0xD0000000  }
0x3: {  	_ = 	snop  }
0x4: {  	_ = 	snop  }
0x5: {  	_ = 	snop  }
0x6: {  	_ = 	snop  }
0x7: {  	_ = 	snop  }
__scs_overlays_trampoline_lowered:
0x8: {  	[smem:$0x3FAE] =	sst s0  }
0x9: {  	[smem:$0x3FAF] =	sst s1  }
0xa: {  	[smem:$0x3FB0] =	sst s2  }
0xb: {  	[smem:$0x3FB1] =	sst s3  }
0xc: {  	[smem:$0x3FB2] =	sst s4  }
0xd: {  	[smem:$0x3FB3] =	sst s5  }
0xe: {  	[smem:$0x3FB4] =	sst s6  }
0xf: {  	[smem:$0x3FB5] =	sst s7  }
0x10: {  	[smem:$0x3FB6] =	sst s8  }
0x11: {  	[smem:$0x3FB7] =	sst s9;
	s0 =	simm.s32 @!p0 $0x0  }
0x12: {  	s1 =	sld [smem:$0x3F9D];
	s0 =	simm.s32 @p0 $0x1  }
0x13: {  	[smem:$0x3FB8] =	sst s0;
	s0 =	simm.s32 @!p1 $0x0  }
0x14: {  	s2 =	sld [smem:$0x3F9C];
	s0 =	simm.s32 @p1 $0x1  }
0x15: {  	[smem:$0x3FB9] =	sst s0;
	s0 =	simm.s32 @!p2 $0x0  }
0x16: {  	s3 =	sld [smem:$0x3FDB];
	s0 =	simm.s32 @p2 $0x1  }
0x17: {  	s4 =	simm.s32 $0x1BF5;
	[smem:$0x3FBB] =	sst s0  }
0x18: {  	s0 =	sld [smem:$0x3F9E];
	_ =	swait.ge [sflag:s4], $0x0  }
0x19: {  	s7 =	sld [smem:$0x3F9F]  }
0x1a: {  	s8 =	sadd.s32 $0xFFFFE003, lr  }
0x1b: {  	s9 =	sadd.s32 $0xFFFFFEF7, lr;
	s5 =	simm.s32 $0xFFFFFFFF;
	p2 =	slt.u32 s8, $0xFFFFF086  }
0x1c: {  	p1 =	slt.u32 s9, $0xF7A;
	s5 =	simm.s32 @!p2 $0x0  }
0x1d: {  	s5 =	simm.s32 @p1 $0x1;
	p0 =	seq.s32 s7, s2  }
0x1e: {  	s7 =	smul.u32 @!p0 $0xF7A, s2;
	p2 =	seq.s32 @!p0 s5, $0x0  }
0x1f: {  	s9 =	smul.u32 $0xF7A, s1;
	s8 =	simm.s32 @!p0 $0x1BF5;
	p2 =	por !p2, p0  }
0x20: {  	[sflag:s8] =	ssyncset.s32 @!p0 $0xFFFFF086;
	s6 =	sadd.s32 @!p0 s3, s7;
	s7 =	simm.s32 @!p0 $0x108  }
0x21: {  	s3 =	sadd.s32 s3, s9;
	s6 =	sadd.s32 @!p0 $0x88, s6;
	s7 =	simm.s32 @p2 $0x1082  }
0x22: {  	[simem:s7], [sflag:s8] =	dma.local @!p0 [hbm:s6], $0xF7A  }
0x23: {  	s9 =	sor.u32 $0xD0000000, s2;
	s6 =	simm.s32 $0x108;
	_ =	swait.ge @!p0 [sflag:s8], $0x0  }
0x24: {  	s3 =	sadd.s32 $0x88, s3;
	s6 =	simm.s32 @!p1 $0x1082;
	[sflag:s4] =	ssyncset.s32 $0xFFFFF086  }
0x25: {  	[simem:s6], [sflag:s4] =	dma.local [hbm:s3], $0xF7A  }
0x26: {  	[smem:$0x3F9F] =	sst s1;
	(tag) =	ssettag s2;
	_ =	strace s9  }
0x27: {  	s1 =	sld [smem:$0x3FAF]  }
0x28: {  	s2 =	sld [smem:$0x3FB0]  }
0x29: {  	s4 =	sld [smem:$0x3FB2]  }
0x2a: {  	p0 =	seq.s32 s5, $0x0;
	s5 =	sld [smem:$0x3FB3]  }
0x2b: {  	s6 =	sld [smem:$0x3FB4]  }
0x2c: {  	s7 =	sld [smem:$0x3FB5]  }
0x2d: {  	s3 =	simm.s32 $0x108;
	s8 =	sld [smem:$0x3FB6]  }
0x2e: {  	s3 =	simm.s32 @!p0 $0x1082;
	s9 =	sld [smem:$0x3FB7]  }
0x2f: {  	lr =	sadd.s32 s0, s3;
	s0 =	sld [smem:$0x3FAE]  }
0x30: {  	s3 =	sld [smem:$0x3FB1]  }
0x31: {  	[smem:$0x3FBA] =	sst s10  }
0x32: {  	s10 =	sld [smem:$0x3FB8];
	_ =	sdelay $0x3  }
0x33: {  	p0 =	seq.s32 s10, $0x1;
	s10 =	sld [smem:$0x3FBA];
	_ =	sdelay $0x3  }
0x34: {  	[smem:$0x3FBA] =	sst s10  }
0x35: {  	s10 =	sld [smem:$0x3FB9];
	_ =	sdelay $0x3  }
0x36: {  	p1 =	seq.s32 s10, $0x1;
	s10 =	sld [smem:$0x3FBA];
	_ =	sdelay $0x3  }
0x37: {  	[smem:$0x3FBA] =	sst s10  }
0x38: {  	s10 =	sld [smem:$0x3FBB]  }
0x39: {  	_ = 	snop;
	(pc) =	sbr.ind lr, $3  }
0x3a: {  	_ = 	snop  }
0x3b: {  	_ = 	snop  }
0x3c: {  	p2 =	seq.s32 s10, $0x1;
	s10 =	sld [smem:$0x3FBA]  }
0x3d: {  	_ =	shalt  }
0x3e: {  	_ =	shalt  }
0x3f: {  	_ =	shalt  }
0x40: {  	_ =	shalt  }
0x41: {  	_ =	shalt  }
0x42: {  	_ =	shalt  }
0x43: {  	_ =	shalt  }
0x44: {  	_ =	shalt  }
0x45: {  	_ =	shalt  }
0x46: {  	_ =	shalt  }
0x47: {  	_ =	shalt  }
0x48: {  	_ =	shalt  }
0x49: {  	_ =	shalt  }
0x4a: {  	_ =	shalt  }
0x4b: {  	_ =	shalt  }
0x4c: {  	_ =	shalt  }
0x4d: {  	_ =	shalt  }
0x4e: {  	_ =	shalt  }
0x4f: {  	_ =	shalt  }
0x50: {  	_ =	shalt  }
0x51: {  	_ =	shalt  }
0x52: {  	_ =	shalt  }
0x53: {  	_ =	shalt  }
0x54: {  	_ =	shalt  }
0x55: {  	_ =	shalt  }
0x56: {  	_ =	shalt  }
0x57: {  	_ =	shalt  }
0x58: {  	_ =	shalt  }
0x59: {  	_ =	shalt  }
0x5a: {  	_ =	shalt  }
0x5b: {  	_ =	shalt  }
0x5c: {  	_ =	shalt  }
0x5d: {  	_ =	shalt  }
0x5e: {  	_ =	shalt  }
0x5f: {  	_ =	shalt  }
0x60: {  	_ =	shalt  }
0x61: {  	_ =	shalt  }
0x62: {  	_ =	shalt  }
0x63: {  	_ =	shalt  }
0x64: {  	_ =	shalt  }
0x65: {  	_ =	shalt  }
0x66: {  	_ =	shalt  }
0x67: {  	_ =	shalt  }
0x68: {  	_ =	shalt  }
0x69: {  	_ =	shalt  }
0x6a: {  	_ =	shalt  }
0x6b: {  	_ =	shalt  }
0x6c: {  	_ =	shalt  }
0x6d: {  	_ =	shalt  }
0x6e: {  	_ =	shalt  }
0x6f: {  	_ =	shalt  }
0x70: {  	_ =	shalt  }
0x71: {  	_ =	shalt  }
0x72: {  	_ =	shalt  }
0x73: {  	_ =	shalt  }
0x74: {  	_ =	shalt  }
0x75: {  	_ =	shalt  }
0x76: {  	_ =	shalt  }
0x77: {  	_ =	shalt  }
0x78: {  	_ =	shalt  }
0x79: {  	_ =	shalt  }
0x7a: {  	_ =	shalt  }
0x7b: {  	_ =	shalt  }
0x7c: {  	_ =	shalt  }
0x7d: {  	_ =	shalt  }
0x7e: {  	_ =	shalt  }
0x7f: {  	_ =	shalt  }
0x80: {  	_ =	shalt  }
0x81: {  	_ =	shalt  }
0x82: {  	_ =	shalt  }
0x83: {  	_ =	shalt  }
0x84: {  	_ =	shalt  }
0x85: {  	_ =	shalt  }
0x86: {  	_ =	shalt  }
0x87: {  	_ =	shalt  }
.Lfunc_end0:
.L_simem_size_0:
called_computation_lowered:
.L_overlay_start_0:
0x88: {  	s2 =	sld [smem:$0x3FD9]  }
0x89: {  	s3 =	sld [smem:$0x3FFE];
	_ =	sdelay $0x1  }
0x8a: {  	s1 =	srdreg.scid  }
0x8b: {  	s0 =	sand.u32 $0x1, s1  }
0x8c: {  	s17 =	sshll.u32 s0, $0xA;
	s2 =	sadd.s32 s3, s2  }
0x8d: {  	s2 =	sadd.s32 s2, s17  }
0x8e: {  	[smem:$0x3FC6] =	sst s2  }
0x8f: {  	_ = 	snop  }
0x90: {  	s2 =	sld [smem:$0x3FC8]  }
0x91: {  	s18 =	sld [smem:$0x3FD0];
	(tm) =	ssettm $0x1  }
0x92: {  	s4 =	sld [smem:$0x3FFB];
	_ =	sdelay $0x3  }
0x93: {  	_ =	strace s4  }
0x94: {  	s4 =	sld [smem:$0x3FFC];
	_ =	sdelay $0x3  }
0x95: {  	_ =	strace s4  }
0x96: {  	s4 =	sld [smem:$0x3FFD];
	_ =	sdelay $0x3  }
0x97: {  	_ =	strace s4  }
0x98: {  	_ =	strace $0x8FFFFFFF  }
0x99: {  	s19 =	sld [smem:$0x3FDB];
	_ =	sdelay $0x1  }
0x9a: {  	s5 =	simm.s32 $_scs_section_size  }
0x9b: {  	s6 =	simm.s32 $_size__tile_overlayer_lowered;
	s7 =	simm.s32 $_tile_overlayer_lowered  }
0x9c: {  	s22 =	simm.s32 $0x1BFF;
	s21 =	sshll.u32 s7, $0x1;
	s4 =	sadd.s32 s5, s19  }
0x9d: {  	s8 =	simm.s32 $0x0;
	s20 =	sshll.u32 s6, $0x1;
	s6 =	sadd.s32 s21, s4  }
0x9e: {  	[timem:s8], [sflag:s22] =	dma.local [hbm:s6], s20  }
0x9f: {  	_ =	swait.ge [sflag:s22], s20  }
0xa0: {  	s5 =	ssub.s32 $0x0, s20;
	[sflag:s22] =	ssyncset.done $0x0  }
0xa1: {  	[sflag:s22] =	ssyncadd.s32 s5;
	_ =	sdelay $0x1  }
0xa2: {  	s23 =	simm.s32 $0x1B8B  }
0xa3: {  	_ =	swait.ge [sflag:s23], $0x1  }
0xa4: {  	[sflag:s23] =	ssyncset.done $0x0  }
0xa5: {  	s25 =	simm.s32 $0x1B8E;
	s24 =	sld [smem:$0x3FFE];
	[sflag:s23] =	ssyncadd.s32 $0xFFFFFFFF  }
0xa6: {  	s26 =	simm.s32 $execute0_lowered;
	[smem:$0x3FD2] =	sst s25  }
0xa7: {  	s6 =	sshll.u32 s26, $0x1;
	_ =	strace $0x80000046;
	[dreg:$0x1] =	wrdreg $0xFFFFFFFF  }
0xa8: {  	s28 =	simm.s32 $_size_execute0_lowered;
	s4 =	sadd.s32 s4, s6;
	[dreg:$0x0] =	wrdreg $0x0  }
0xa9: {  	s6 =	sshll.u32 s28, $0x1;
	[dreg:$0x2] =	wrdreg s4  }
0xaa: {  	[dreg:$0x3] =	wrdreg s6  }
0xab: {  	[dreg:$0x4] =	wrdreg $0xC0  }
0xac: {  	_ =	task [dreg:s8], $0x5FFFF  }
0xad: {  	[dreg:$0x1] =	wrdreg $0xFFFFFFFF  }
0xae: {  	[dreg:$0x0] =	wrdreg $0x60  }
0xaf: {  	[dreg:$0x2] =	wrdreg s24  }
0xb0: {  	[dreg:$0x3] =	wrdreg s2  }
0xb1: {  	[dreg:$0x4] =	wrdreg s18  }
0xb2: {  	[dreg:$0x5] =	wrdreg $0x9  }
0xb3: {  	_ =	task.clear_ibuf [dreg:s8], $0x6FFFF;
	_ =	strace $0x90000046  }
0xb4: {  	s29 =	simm.s32 $0x9;
	_ =	strace $0x80000048  }
0xb5: {  	_ =	swait.ge [sflag:s29], $0x1  }
0xb6: {  	[sflag:s29] =	ssyncadd.s32 $0xFFFFFFFF  }
0xb7: {  	_ =	strace $0x90000048  }
0xb8: {  	_ =	sfence  }
0xb9: {  	s30 =	sld [smem:$0x0];
	_ =	sdelay $0x2  }
0xba: {  	s31 =	sshll.u32 s1, $0xD;
	s1 =	sshrl.u32 s1, $0x2  }
0xbb: {  	s3 =	sand.u32 $0x4000, s31;
	s1 =	sadd.s32 s1, s30  }
0xbc: {  	s0 =	sor.u32 s3, s0;
	s1 =	sshll.u32 s1, $0x11  }
0xbd: {  	s0 =	sor.u32 s1, s0  }
0xbe: {  	s0 =	sadd.s32 $0x8F2B, s0  }
0xbf: {  	[sflag:s0] =	ssyncadd.remote.s32 $0x1  }
0xc0: {  	_ =	sfence.sel $0xFFFF  }
0xc1: {  	[dreg:$0x0] =	wrdreg $0xFFFFFFFF;
	(pc) =	sbr.abs _section_cstart, $3  }
0xc2: {  	[dreg:$0x1] =	wrdreg $0xFFFFFFFF  }
0xc3: {  	_ =	task.clear_ibuf [dreg:s8], $0x2FFFF;
	_ =	strace $0x9FFFFFFF  }
0xc4: {  	(tm) =	ssettm $0x7FFFFFFF  }
0xc5: {  	_ =	shalt  }
tec
execute0_lowered:
.L_overlay_start_1:
0x0: {  	(tag) =	ssettag $0x1  }
0x1: {  	s0 =	srdreg.scid  }
0x2: {  	s0 =	sand.u32 $0x1, s0  }
0x3: {  	s1 =	stileid.u32;
	s6 =	sshll.u32 s0, $0x4  }
0x4: {  	s4 =	rddreg [dreg:$0x0];
	s6 =	sor.u32 s1, s6  }
0x5: {  	s2 =	rddreg [dreg:$0x1];
	s7 =	smul.u32 $0x1900, s6  }
0x6: {  	s5 =	rddreg [dreg:$0x2];
	s3 =	simm.s32 $0x0;
	s10 =	smul.u32 $0x19000, s6  }
0x7: {  	[smem:$0x7FF] =	sst s3;
	s6 =	smul.u32 $0xC8000, s6  }
0x8: {  	s4 =	sadd.s32 $0x400, s4;
	_ =	strace $0x80000047;
	s8 =	sshrl.u32 s7, $0x3  }
0x9: {  	s7 =	sadd.s32 $0x1D8, s7;
	s16 =	sadd.s32 s5, s10;
	s6 =	sshrl.u32 s6, $0x3  }
0xa: {  	s8 =	sadd.s32 s4, s8;
	s9 =	sshrl.u32 s7, $0x3;
	[dreg:$0x6] =	wrdreg s16  }
0xb: {  	s7 =	sshll.u32 s7, $0x4;
	[dreg:$0x4] =	wrdreg s8;
	s4 =	sadd.s32 s4, s9  }
0xc: {  	s31 =	sadd.s32 s5, s6;
	s17 =	sadd.s32 s5, s7;
	[dreg:$0x5] =	wrdreg s4  }
0xd: {  	s18 =	sadd.s32 $0x3B00, s31;
	[dreg:$0x7] =	wrdreg s17  }
0xe: {  	s19 =	sadd.s32 $0x5880, s31;
	[dreg:$0x8] =	wrdreg s18  }
0xf: {  	s20 =	sadd.s32 $0x7600, s31;
	[dreg:$0x9] =	wrdreg s19  }
0x10: {  	s21 =	sadd.s32 $0x9380, s31;
	[dreg:$0xa] =	wrdreg s20  }
0x11: {  	[dreg:$0xb] =	wrdreg s21  }
0x12: {  	s22 =	sadd.s32 $0xB100, s31;
	s23 =	rddreg [dreg:$0x4]  }
0x13: {  	s24 =	sadd.s32 $0xCE80, s31;
	[dreg:$0xc] =	wrdreg s22  }
0x14: {  	[dreg:$0xd] =	wrdreg s24;
	s4 =	simm.s32 $0x5  }
0x15: {  	[tilespmem:s3], [sflag:$0x5] =	stream.linear.gather [hbm4b:s23+s3], $0x1D8, $0x38;
	[tilespmem:$0x1F100] =	vst v63  }
0x16: {  	_ =	swait.ge [sflag:s4], $0x1D8  }
0x17: {  	[sflag:s4] =	ssyncset.done $0x0  }
0x18: {  	s6 =	simm.s32 $0x1900;
	s5 =	simm.s32 $0x1D8;
	[sflag:s4] =	ssyncadd.s32 $0xFFFFFE28  }
0x19: {  	[tilespmem:s6], [sflag:$0x1] =	stream.indirect.gather [hbm4b:s2+s5], $0x80, s3, s5, $0xb8;
	[tilespmem:$0x1F100] =	vst v63  }
0x1a: {  	s25 =	rddreg [dreg:$0x5]  }
0x1b: {  	[tilespmem:s5], [sflag:$0x5] =	stream.linear.gather [hbm4b:s25+s3], $0x1728, $0x38;
	[tilespmem:$0x1F100] =	vst v63  }
0x1c: {  	_ =	swait.ge [sflag:s4], $0x1728  }
0x1d: {  	[sflag:s4] =	ssyncset.done $0x0  }
0x1e: {  	s7 =	simm.s32 $0x10500;
	s8 =	simm.s32 $0x1;
	[sflag:s4] =	ssyncadd.s32 $0xFFFFE8D8  }
0x1f: {  	[tilespmem:s7], [sflag:$0x2] =	stream.indirect.gather [hbm4b:s2+s5], $0x80, s5, s5, $0xb8;
	[tilespmem:$0x1F100] =	vst v63  }
0x20: {  	_ =	swait.ge [sflag:s8], $0xEC00  }
0x21: {  	[sflag:s8] =	ssyncset.done $0x0  }
0x22: {  	s9 =	simm.s32 $0x3;
	s26 =	rddreg [dreg:$0x6];
	[sflag:s8] =	ssyncadd.s32 $0xFFFF1400  }
0x23: {  	[hbm4b:s26+s3] =	stream.linear.scatter [tilespmem:s6], [sflag:$0x3], $0xEC00, $0x38;
	[tilespmem:$0x1F100] =	vst v63  }
0x24: {  	_ =	swait.ge [sflag:s9], $0xEC00  }
0x25: {  	[sflag:s9] =	ssyncset.done $0x0  }
0x26: {  	s11 =	simm.s32 $0x2;
	s10 =	simm.s32 $0x3B0;
	[sflag:s9] =	ssyncadd.s32 $0xFFFF1400  }
0x27: {  	[tilespmem:s6], [sflag:$0x1] =	stream.indirect.gather [hbm4b:s2+s5], $0x80, s10, s5, $0xb8;
	[tilespmem:$0x1F100] =	vst v63  }
0x28: {  	_ =	swait.ge [sflag:s11], $0xEC00  }
0x29: {  	[sflag:s11] =	ssyncset.done $0x0  }
0x2a: {  	s12 =	simm.s32 $0x4;
	s13 =	rddreg [dreg:$0x7];
	[sflag:s11] =	ssyncadd.s32 $0xFFFF1400  }
0x2b: {  	[hbm4b:s13+s3] =	stream.linear.scatter [tilespmem:s7], [sflag:$0x4], $0xEC00, $0x38;
	[tilespmem:$0x1F100] =	vst v63  }
0x2c: {  	_ =	swait.ge [sflag:s12], $0xEC00  }
0x2d: {  	[sflag:s12] =	ssyncset.done $0x0  }
0x2e: {  	s13 =	simm.s32 $0x588;
	[sflag:s12] =	ssyncadd.s32 $0xFFFF1400  }
0x2f: {  	[tilespmem:s7], [sflag:$0x2] =	stream.indirect.gather [hbm4b:s2+s5], $0x80, s13, s5, $0xb8;
	[tilespmem:$0x1F100] =	vst v63  }
0x30: {  	_ =	swait.ge [sflag:s8], $0xEC00  }
0x31: {  	[sflag:s8] =	ssyncset.done $0x0  }
0x32: {  	s14 =	rddreg [dreg:$0x8];
	[sflag:s8] =	ssyncadd.s32 $0xFFFF1400  }
0x33: {  	[hbm4b:s14+s3] =	stream.linear.scatter [tilespmem:s6], [sflag:$0x3], $0xEC00, $0x38;
	[tilespmem:$0x1F100] =	vst v63  }
0x34: {  	_ =	swait.ge [sflag:s9], $0xEC00  }
0x35: {  	[sflag:s9] =	ssyncset.done $0x0  }
0x36: {  	s14 =	simm.s32 $0x760;
	[sflag:s9] =	ssyncadd.s32 $0xFFFF1400  }
0x37: {  	[tilespmem:s6], [sflag:$0x1] =	stream.indirect.gather [hbm4b:s2+s5], $0x80, s14, s5, $0xb8;
	[tilespmem:$0x1F100] =	vst v63  }
0x38: {  	_ =	swait.ge [sflag:s11], $0xEC00  }
0x39: {  	[sflag:s11] =	ssyncset.done $0x0  }
0x3a: {  	s15 =	rddreg [dreg:$0x9];
	[sflag:s11] =	ssyncadd.s32 $0xFFFF1400  }
0x3b: {  	[hbm4b:s15+s3] =	stream.linear.scatter [tilespmem:s7], [sflag:$0x4], $0xEC00, $0x38;
	[tilespmem:$0x1F100] =	vst v63  }
0x3c: {  	_ =	swait.ge [sflag:s12], $0xEC00  }
0x3d: {  	[sflag:s12] =	ssyncset.done $0x0  }
0x3e: {  	s15 =	simm.s32 $0x938;
	[sflag:s12] =	ssyncadd.s32 $0xFFFF1400  }
0x3f: {  	[tilespmem:s7], [sflag:$0x2] =	stream.indirect.gather [hbm4b:s2+s5], $0x80, s15, s5, $0xb8;
	[tilespmem:$0x1F100] =	vst v63  }
0x40: {  	_ =	swait.ge [sflag:s8], $0xEC00  }
0x41: {  	[sflag:s8] =	ssyncset.done $0x0  }
0x42: {  	s16 =	rddreg [dreg:$0xa];
	[sflag:s8] =	ssyncadd.s32 $0xFFFF1400  }
0x43: {  	[hbm4b:s16+s3] =	stream.linear.scatter [tilespmem:s6], [sflag:$0x3], $0xEC00, $0x38;
	[tilespmem:$0x1F100] =	vst v63  }
0x44: {  	_ =	swait.ge [sflag:s9], $0xEC00  }
0x45: {  	[sflag:s9] =	ssyncset.done $0x0  }
0x46: {  	s16 =	simm.s32 $0xB10;
	[sflag:s9] =	ssyncadd.s32 $0xFFFF1400  }
0x47: {  	[tilespmem:s6], [sflag:$0x1] =	stream.indirect.gather [hbm4b:s2+s5], $0x80, s16, s5, $0xb8;
	[tilespmem:$0x1F100] =	vst v63  }
0x48: {  	_ =	swait.ge [sflag:s11], $0xEC00  }
0x49: {  	[sflag:s11] =	ssyncset.done $0x0  }
0x4a: {  	s17 =	rddreg [dreg:$0xb];
	[sflag:s11] =	ssyncadd.s32 $0xFFFF1400  }
0x4b: {  	[hbm4b:s17+s3] =	stream.linear.scatter [tilespmem:s7], [sflag:$0x4], $0xEC00, $0x38;
	[tilespmem:$0x1F100] =	vst v63  }
0x4c: {  	_ =	swait.ge [sflag:s12], $0xEC00  }
0x4d: {  	[sflag:s12] =	ssyncset.done $0x0  }
0x4e: {  	s17 =	simm.s32 $0xCE8;
	[sflag:s12] =	ssyncadd.s32 $0xFFFF1400  }
0x4f: {  	[tilespmem:s7], [sflag:$0x2] =	stream.indirect.gather [hbm4b:s2+s5], $0x80, s17, s5, $0xb8;
	[tilespmem:$0x1F100] =	vst v63  }
0x50: {  	_ =	swait.ge [sflag:s8], $0xEC00  }
0x51: {  	[sflag:s8] =	ssyncset.done $0x0  }
0x52: {  	s18 =	rddreg [dreg:$0xc];
	[sflag:s8] =	ssyncadd.s32 $0xFFFF1400  }
0x53: {  	[hbm4b:s18+s3] =	stream.linear.scatter [tilespmem:s6], [sflag:$0x3], $0xEC00, $0x38;
	[tilespmem:$0x1F100] =	vst v63  }
0x54: {  	_ =	swait.ge [sflag:s9], $0xEC00  }
0x55: {  	[sflag:s9] =	ssyncset.done $0x0  }
0x56: {  	s18 =	simm.s32 $0xEC0;
	[sflag:s9] =	ssyncadd.s32 $0xFFFF1400  }
0x57: {  	[tilespmem:s6], [sflag:$0x1] =	stream.indirect.gather [hbm4b:s2+s5], $0x80, s18, s5, $0xb8;
	[tilespmem:$0x1F100] =	vst v63  }
0x58: {  	_ =	swait.ge [sflag:s11], $0xEC00  }
0x59: {  	[sflag:s11] =	ssyncset.done $0x0  }
0x5a: {  	s19 =	rddreg [dreg:$0xd];
	[sflag:s11] =	ssyncadd.s32 $0xFFFF1400  }
0x5b: {  	[hbm4b:s19+s3] =	stream.linear.scatter [tilespmem:s7], [sflag:$0x4], $0xEC00, $0x38;
	[tilespmem:$0x1F100] =	vst v63  }
0x5c: {  	_ =	swait.ge [sflag:s12], $0xEC00  }
0x5d: {  	[sflag:s12] =	ssyncset.done $0x0  }
0x5e: {  	s19 =	simm.s32 $0x1098;
	[sflag:s12] =	ssyncadd.s32 $0xFFFF1400  }
0x5f: {  	[tilespmem:s7], [sflag:$0x2] =	stream.indirect.gather [hbm4b:s2+s5], $0x80, s19, s5, $0xb8;
	[tilespmem:$0x1F100] =	vst v63  }
0x60: {  	_ =	swait.ge [sflag:s8], $0xEC00  }
0x61: {  	[sflag:s8] =	ssyncset.done $0x0  }
0x62: {  	s20 =	sadd.s32 $0xEC00, s31;
	[sflag:s8] =	ssyncadd.s32 $0xFFFF1400  }
0x63: {  	[hbm4b:s20+s3] =	stream.linear.scatter [tilespmem:s6], [sflag:$0x3], $0xEC00, $0x38;
	[tilespmem:$0x1F100] =	vst v63  }
0x64: {  	_ =	swait.ge [sflag:s9], $0xEC00  }
0x65: {  	[sflag:s9] =	ssyncset.done $0x0  }
0x66: {  	s21 =	simm.s32 $0x1270;
	[sflag:s9] =	ssyncadd.s32 $0xFFFF1400  }
0x67: {  	[tilespmem:s6], [sflag:$0x1] =	stream.indirect.gather [hbm4b:s2+s5], $0x80, s21, s5, $0xb8;
	[tilespmem:$0x1F100] =	vst v63  }
0x68: {  	_ =	swait.ge [sflag:s11], $0xEC00  }
0x69: {  	[sflag:s11] =	ssyncset.done $0x0  }
0x6a: {  	s22 =	sadd.s32 $0x10980, s31;
	[sflag:s11] =	ssyncadd.s32 $0xFFFF1400  }
0x6b: {  	[hbm4b:s22+s3] =	stream.linear.scatter [tilespmem:s7], [sflag:$0x4], $0xEC00, $0x38;
	[tilespmem:$0x1F100] =	vst v63  }
0x6c: {  	_ =	swait.ge [sflag:s12], $0xEC00  }
0x6d: {  	[sflag:s12] =	ssyncset.done $0x0  }
0x6e: {  	s23 =	simm.s32 $0x1448;
	[sflag:s12] =	ssyncadd.s32 $0xFFFF1400  }
0x6f: {  	[tilespmem:s7], [sflag:$0x2] =	stream.indirect.gather [hbm4b:s2+s5], $0x80, s23, s5, $0xb8;
	[tilespmem:$0x1F100] =	vst v63  }
0x70: {  	_ =	swait.ge [sflag:s8], $0xEC00  }
0x71: {  	[sflag:s8] =	ssyncset.done $0x0  }
0x72: {  	s24 =	sadd.s32 $0x12700, s31;
	[sflag:s8] =	ssyncadd.s32 $0xFFFF1400  }
0x73: {  	[hbm4b:s24+s3] =	stream.linear.scatter [tilespmem:s6], [sflag:$0x3], $0xEC00, $0x38;
	[tilespmem:$0x1F100] =	vst v63  }
0x74: {  	_ =	swait.ge [sflag:s9], $0xEC00  }
0x75: {  	[sflag:s9] =	ssyncset.done $0x0  }
0x76: {  	s25 =	simm.s32 $0x1620;
	[sflag:s9] =	ssyncadd.s32 $0xFFFF1400  }
0x77: {  	[tilespmem:s6], [sflag:$0x1] =	stream.indirect.gather [hbm4b:s2+s5], $0x80, s25, s5, $0xb8;
	[tilespmem:$0x1F100] =	vst v63  }
0x78: {  	_ =	swait.ge [sflag:s11], $0xEC00  }
0x79: {  	[sflag:s11] =	ssyncset.done $0x0  }
0x7a: {  	s26 =	sadd.s32 $0x14480, s31;
	[sflag:s11] =	ssyncadd.s32 $0xFFFF1400  }
0x7b: {  	[hbm4b:s26+s3] =	stream.linear.scatter [tilespmem:s7], [sflag:$0x4], $0xEC00, $0x38;
	[tilespmem:$0x1F100] =	vst v63  }
0x7c: {  	_ =	swait.ge [sflag:s12], $0xEC00  }
0x7d: {  	[sflag:s12] =	ssyncset.done $0x0  }
0x7e: {  	s28 =	simm.s32 $0x108;
	s29 =	simm.s32 $0x17F8;
	[sflag:s12] =	ssyncadd.s32 $0xFFFF1400  }
0x7f: {  	[tilespmem:s7], [sflag:$0x2] =	stream.indirect.gather [hbm4b:s2+s28], $0x80, s29, s28, $0xb8;
	[tilespmem:$0x1F100] =	vst v63  }
0x80: {  	_ =	swait.ge [sflag:s8], $0xEC00  }
0x81: {  	s0 =	ssub.s32 $0x2, s0;
	[sflag:s8] =	ssyncset.done $0x0  }
0x82: {  	s1 =	sshrl.u32 s0, $0x1;
	s30 =	sadd.s32 $0x16200, s31;
	[sflag:s8] =	ssyncadd.s32 $0xFFFF1400  }
0x83: {  	[hbm4b:s30+s3] =	stream.linear.scatter [tilespmem:s6], [sflag:$0x3], $0xEC00, $0x38;
	[tilespmem:$0x1F100] =	vst v63  }
0x84: {  	s0 =	ssub.s32 s0, s1;
	_ =	swait.ge [sflag:s11], $0x8400  }
0x85: {  	s0 =	smax.u32 s0, $0x1;
	[sflag:s11] =	ssyncset.done $0x0  }
0x86: {  	p0 =	sne.s32 s0, $0x1;
	s31 =	sadd.s32 $0x17F80, s31;
	[sflag:s11] =	ssyncadd.s32 $0xFFFF7C00  }
0x87: {  	[hbm4b:s31+s3] =	stream.linear.scatter [tilespmem:s7], [sflag:$0x4], $0x8400, $0x38;
	[tilespmem:$0x1F100] =	vst v63  }
.Ltmp0:
0x88: {  	_ =	swait.ge [sflag:s9], $0xEC00;
	(pc) =	sbr.rel @!p0 .LBB2_2-.Ltmp0, $4  }
0x89: {  	[sflag:s9] =	ssyncset.done $0x0  }
0x8a: {  	[sflag:s9] =	ssyncadd.s32 $0xFFFF1400  }
0x8b: {  	_ =	swait.ge [sflag:s12], $0x8400  }
0x8c: {  	s0 =	sadd.s32 $0xFFFFFFFF, s0;
	[sflag:s12] =	ssyncset.done $0x0  }
.LBB2_1:
0x8d: {  	s1 =	rddreg [dreg:$0x4];
	[sflag:s12] =	ssyncadd.s32 $0xFFFF7C00  }
0x8e: {  	[tilespmem:s3], [sflag:$0x5] =	stream.linear.gather [hbm4b:s1+s3], $0x1D8, $0x38;
	[tilespmem:$0x1F100] =	vst v63  }
0x8f: {  	_ =	swait.ge [sflag:s4], $0x1D8  }
0x90: {  	[sflag:s4] =	ssyncset.done $0x0  }
0x91: {  	[sflag:s4] =	ssyncadd.s32 $0xFFFFFE28  }
0x92: {  	[tilespmem:s6], [sflag:$0x1] =	stream.indirect.gather [hbm4b:s2+s5], $0x80, s3, s5, $0xb8;
	[tilespmem:$0x1F100] =	vst v63  }
0x93: {  	s1 =	rddreg [dreg:$0x5]  }
0x94: {  	[tilespmem:s5], [sflag:$0x5] =	stream.linear.gather [hbm4b:s1+s3], $0x1728, $0x38;
	[tilespmem:$0x1F100] =	vst v63  }
0x95: {  	_ =	swait.ge [sflag:s4], $0x1728  }
0x96: {  	[sflag:s4] =	ssyncset.done $0x0  }
0x97: {  	[sflag:s4] =	ssyncadd.s32 $0xFFFFE8D8  }
0x98: {  	[tilespmem:s7], [sflag:$0x2] =	stream.indirect.gather [hbm4b:s2+s5], $0x80, s5, s5, $0xb8;
	[tilespmem:$0x1F100] =	vst v63  }
0x99: {  	_ =	swait.ge [sflag:s8], $0xEC00  }
0x9a: {  	[sflag:s8] =	ssyncset.done $0x0  }
0x9b: {  	s1 =	rddreg [dreg:$0x6];
	[sflag:s8] =	ssyncadd.s32 $0xFFFF1400  }
0x9c: {  	[hbm4b:s1+s3] =	stream.linear.scatter [tilespmem:s6], [sflag:$0x3], $0xEC00, $0x38;
	[tilespmem:$0x1F100] =	vst v63  }
0x9d: {  	_ =	swait.ge [sflag:s9], $0xEC00  }
0x9e: {  	[sflag:s9] =	ssyncset.done $0x0  }
0x9f: {  	[sflag:s9] =	ssyncadd.s32 $0xFFFF1400  }
0xa0: {  	[tilespmem:s6], [sflag:$0x1] =	stream.indirect.gather [hbm4b:s2+s5], $0x80, s10, s5, $0xb8;
	[tilespmem:$0x1F100] =	vst v63  }
0xa1: {  	_ =	swait.ge [sflag:s11], $0xEC00  }
0xa2: {  	[sflag:s11] =	ssyncset.done $0x0  }
0xa3: {  	s1 =	rddreg [dreg:$0x7];
	[sflag:s11] =	ssyncadd.s32 $0xFFFF1400  }
0xa4: {  	[hbm4b:s1+s3] =	stream.linear.scatter [tilespmem:s7], [sflag:$0x4], $0xEC00, $0x38;
	[tilespmem:$0x1F100] =	vst v63  }
0xa5: {  	_ =	swait.ge [sflag:s12], $0xEC00  }
0xa6: {  	[sflag:s12] =	ssyncset.done $0x0  }
0xa7: {  	[sflag:s12] =	ssyncadd.s32 $0xFFFF1400  }
0xa8: {  	[tilespmem:s7], [sflag:$0x2] =	stream.indirect.gather [hbm4b:s2+s5], $0x80, s13, s5, $0xb8;
	[tilespmem:$0x1F100] =	vst v63  }
0xa9: {  	_ =	swait.ge [sflag:s8], $0xEC00  }
0xaa: {  	[sflag:s8] =	ssyncset.done $0x0  }
0xab: {  	s1 =	rddreg [dreg:$0x8];
	[sflag:s8] =	ssyncadd.s32 $0xFFFF1400  }
0xac: {  	[hbm4b:s1+s3] =	stream.linear.scatter [tilespmem:s6], [sflag:$0x3], $0xEC00, $0x38;
	[tilespmem:$0x1F100] =	vst v63  }
0xad: {  	_ =	swait.ge [sflag:s9], $0xEC00  }
0xae: {  	[sflag:s9] =	ssyncset.done $0x0  }
0xaf: {  	[sflag:s9] =	ssyncadd.s32 $0xFFFF1400  }
0xb0: {  	[tilespmem:s6], [sflag:$0x1] =	stream.indirect.gather [hbm4b:s2+s5], $0x80, s14, s5, $0xb8;
	[tilespmem:$0x1F100] =	vst v63  }
0xb1: {  	_ =	swait.ge [sflag:s11], $0xEC00  }
0xb2: {  	[sflag:s11] =	ssyncset.done $0x0  }
0xb3: {  	s1 =	rddreg [dreg:$0x9];
	[sflag:s11] =	ssyncadd.s32 $0xFFFF1400  }
0xb4: {  	[hbm4b:s1+s3] =	stream.linear.scatter [tilespmem:s7], [sflag:$0x4], $0xEC00, $0x38;
	[tilespmem:$0x1F100] =	vst v63  }
0xb5: {  	_ =	swait.ge [sflag:s12], $0xEC00  }
0xb6: {  	[sflag:s12] =	ssyncset.done $0x0  }
0xb7: {  	[sflag:s12] =	ssyncadd.s32 $0xFFFF1400  }
0xb8: {  	[tilespmem:s7], [sflag:$0x2] =	stream.indirect.gather [hbm4b:s2+s5], $0x80, s15, s5, $0xb8;
	[tilespmem:$0x1F100] =	vst v63  }
0xb9: {  	_ =	swait.ge [sflag:s8], $0xEC00  }
0xba: {  	[sflag:s8] =	ssyncset.done $0x0  }
0xbb: {  	s1 =	rddreg [dreg:$0xa];
	[sflag:s8] =	ssyncadd.s32 $0xFFFF1400  }
0xbc: {  	[hbm4b:s1+s3] =	stream.linear.scatter [tilespmem:s6], [sflag:$0x3], $0xEC00, $0x38;
	[tilespmem:$0x1F100] =	vst v63  }
0xbd: {  	_ =	swait.ge [sflag:s9], $0xEC00  }
0xbe: {  	[sflag:s9] =	ssyncset.done $0x0  }
0xbf: {  	[sflag:s9] =	ssyncadd.s32 $0xFFFF1400  }
0xc0: {  	[tilespmem:s6], [sflag:$0x1] =	stream.indirect.gather [hbm4b:s2+s5], $0x80, s16, s5, $0xb8;
	[tilespmem:$0x1F100] =	vst v63  }
0xc1: {  	_ =	swait.ge [sflag:s11], $0xEC00  }
0xc2: {  	[sflag:s11] =	ssyncset.done $0x0  }
0xc3: {  	s1 =	rddreg [dreg:$0xb];
	[sflag:s11] =	ssyncadd.s32 $0xFFFF1400  }
0xc4: {  	[hbm4b:s1+s3] =	stream.linear.scatter [tilespmem:s7], [sflag:$0x4], $0xEC00, $0x38;
	[tilespmem:$0x1F100] =	vst v63  }
0xc5: {  	_ =	swait.ge [sflag:s12], $0xEC00  }
0xc6: {  	[sflag:s12] =	ssyncset.done $0x0  }
0xc7: {  	[sflag:s12] =	ssyncadd.s32 $0xFFFF1400  }
0xc8: {  	[tilespmem:s7], [sflag:$0x2] =	stream.indirect.gather [hbm4b:s2+s5], $0x80, s17, s5, $0xb8;
	[tilespmem:$0x1F100] =	vst v63  }
0xc9: {  	_ =	swait.ge [sflag:s8], $0xEC00  }
0xca: {  	[sflag:s8] =	ssyncset.done $0x0  }
0xcb: {  	s1 =	rddreg [dreg:$0xc];
	[sflag:s8] =	ssyncadd.s32 $0xFFFF1400  }
0xcc: {  	[hbm4b:s1+s3] =	stream.linear.scatter [tilespmem:s6], [sflag:$0x3], $0xEC00, $0x38;
	[tilespmem:$0x1F100] =	vst v63  }
0xcd: {  	_ =	swait.ge [sflag:s9], $0xEC00  }
0xce: {  	[sflag:s9] =	ssyncset.done $0x0  }
0xcf: {  	[sflag:s9] =	ssyncadd.s32 $0xFFFF1400  }
0xd0: {  	[tilespmem:s6], [sflag:$0x1] =	stream.indirect.gather [hbm4b:s2+s5], $0x80, s18, s5, $0xb8;
	[tilespmem:$0x1F100] =	vst v63  }
0xd1: {  	_ =	swait.ge [sflag:s11], $0xEC00  }
0xd2: {  	[sflag:s11] =	ssyncset.done $0x0  }
0xd3: {  	s1 =	rddreg [dreg:$0xd];
	[sflag:s11] =	ssyncadd.s32 $0xFFFF1400  }
0xd4: {  	[hbm4b:s1+s3] =	stream.linear.scatter [tilespmem:s7], [sflag:$0x4], $0xEC00, $0x38;
	[tilespmem:$0x1F100] =	vst v63  }
0xd5: {  	_ =	swait.ge [sflag:s12], $0xEC00  }
0xd6: {  	[sflag:s12] =	ssyncset.done $0x0  }
0xd7: {  	[sflag:s12] =	ssyncadd.s32 $0xFFFF1400  }
0xd8: {  	[tilespmem:s7], [sflag:$0x2] =	stream.indirect.gather [hbm4b:s2+s5], $0x80, s19, s5, $0xb8;
	[tilespmem:$0x1F100] =	vst v63  }
0xd9: {  	_ =	swait.ge [sflag:s8], $0xEC00  }
0xda: {  	[sflag:s8] =	ssyncset.done $0x0  }
0xdb: {  	[sflag:s8] =	ssyncadd.s32 $0xFFFF1400  }
0xdc: {  	[hbm4b:s20+s3] =	stream.linear.scatter [tilespmem:s6], [sflag:$0x3], $0xEC00, $0x38;
	[tilespmem:$0x1F100] =	vst v63  }
0xdd: {  	_ =	swait.ge [sflag:s9], $0xEC00  }
0xde: {  	[sflag:s9] =	ssyncset.done $0x0  }
0xdf: {  	[sflag:s9] =	ssyncadd.s32 $0xFFFF1400  }
0xe0: {  	[tilespmem:s6], [sflag:$0x1] =	stream.indirect.gather [hbm4b:s2+s5], $0x80, s21, s5, $0xb8;
	[tilespmem:$0x1F100] =	vst v63  }
0xe1: {  	_ =	swait.ge [sflag:s11], $0xEC00  }
0xe2: {  	[sflag:s11] =	ssyncset.done $0x0  }
0xe3: {  	[sflag:s11] =	ssyncadd.s32 $0xFFFF1400  }
0xe4: {  	[hbm4b:s22+s3] =	stream.linear.scatter [tilespmem:s7], [sflag:$0x4], $0xEC00, $0x38;
	[tilespmem:$0x1F100] =	vst v63  }
0xe5: {  	_ =	swait.ge [sflag:s12], $0xEC00  }
0xe6: {  	[sflag:s12] =	ssyncset.done $0x0  }
0xe7: {  	[sflag:s12] =	ssyncadd.s32 $0xFFFF1400  }
0xe8: {  	[tilespmem:s7], [sflag:$0x2] =	stream.indirect.gather [hbm4b:s2+s5], $0x80, s23, s5, $0xb8;
	[tilespmem:$0x1F100] =	vst v63  }
0xe9: {  	_ =	swait.ge [sflag:s8], $0xEC00  }
0xea: {  	[sflag:s8] =	ssyncset.done $0x0  }
0xeb: {  	[sflag:s8] =	ssyncadd.s32 $0xFFFF1400  }
0xec: {  	[hbm4b:s24+s3] =	stream.linear.scatter [tilespmem:s6], [sflag:$0x3], $0xEC00, $0x38;
	[tilespmem:$0x1F100] =	vst v63  }
0xed: {  	_ =	swait.ge [sflag:s9], $0xEC00  }
0xee: {  	[sflag:s9] =	ssyncset.done $0x0  }
0xef: {  	[sflag:s9] =	ssyncadd.s32 $0xFFFF1400  }
0xf0: {  	[tilespmem:s6], [sflag:$0x1] =	stream.indirect.gather [hbm4b:s2+s5], $0x80, s25, s5, $0xb8;
	[tilespmem:$0x1F100] =	vst v63  }
0xf1: {  	_ =	swait.ge [sflag:s11], $0xEC00  }
0xf2: {  	[sflag:s11] =	ssyncset.done $0x0  }
0xf3: {  	[sflag:s11] =	ssyncadd.s32 $0xFFFF1400  }
0xf4: {  	[hbm4b:s26+s3] =	stream.linear.scatter [tilespmem:s7], [sflag:$0x4], $0xEC00, $0x38;
	[tilespmem:$0x1F100] =	vst v63  }
0xf5: {  	_ =	swait.ge [sflag:s12], $0xEC00  }
0xf6: {  	[sflag:s12] =	ssyncset.done $0x0  }
0xf7: {  	[sflag:s12] =	ssyncadd.s32 $0xFFFF1400  }
0xf8: {  	[tilespmem:s7], [sflag:$0x2] =	stream.indirect.gather [hbm4b:s2+s28], $0x80, s29, s28, $0xb8;
	[tilespmem:$0x1F100] =	vst v63  }
0xf9: {  	_ =	swait.ge [sflag:s8], $0xEC00  }
0xfa: {  	[sflag:s8] =	ssyncset.done $0x0  }
0xfb: {  	[sflag:s8] =	ssyncadd.s32 $0xFFFF1400  }
0xfc: {  	[hbm4b:s30+s3] =	stream.linear.scatter [tilespmem:s6], [sflag:$0x3], $0xEC00, $0x38;
	[tilespmem:$0x1F100] =	vst v63  }
0xfd: {  	_ =	swait.ge [sflag:s11], $0x8400  }
0xfe: {  	[sflag:s11] =	ssyncset.done $0x0  }
0xff: {  	p0 =	sne.s32 s0, $0x1;
	[sflag:s11] =	ssyncadd.s32 $0xFFFF7C00  }
0x100: {  	[hbm4b:s31+s3] =	stream.linear.scatter [tilespmem:s7], [sflag:$0x4], $0x8400, $0x38;
	[tilespmem:$0x1F100] =	vst v63  }
.Ltmp1:
0x101: {  	_ =	swait.ge [sflag:s9], $0xEC00;
	(pc) =	sbr.rel @p0 .LBB2_1-.Ltmp1, $4  }
0x102: {  	[sflag:s9] =	ssyncset.done $0x0  }
0x103: {  	[sflag:s9] =	ssyncadd.s32 $0xFFFF1400  }
0x104: {  	_ =	swait.ge [sflag:s12], $0x8400  }
0x105: {  	s0 =	sadd.s32 $0xFFFFFFFF, s0;
	[sflag:s12] =	ssyncset.done $0x0  }
.LBB2_2:
0x106: {  	[sflag:s12] =	ssyncadd.s32 $0xFFFF7C00  }
0x107: {  	_ =	sfence.sel $0x180000  }
0x108: {  	[bflag:$0x0] =	sbarrier.arrive $0xFFFF  }
0x109: {  	_ =	strace $0x90000047  }
0x10a: {  	s0 =	stileid.u32;
	[bflag:$0x2] =	sbarrier.arrive $0xFFFF  }
0x10b: {  	p0 =	sne.s32 s0, $0x0;
	s0 =	rddreg [dreg:$0x3]  }
0x10c: {  	s0 =	sadd.s32 @!p0 $0x100000, s0  }
0x10d: {  	[sflag:s0] =	ssyncadd.tile.s32 @!p0 $0x1;
	_ =	shalt  }
.Lfunc_end2:
_tile_overlayer_lowered:
.L_overlay_start_2:
0x10e: {  	(tag) =	ssettag $0x2  }
0x10f: {  	s0 =	rddreg [dreg:$0x0];
	s2 =	stileid.u32  }
0x110: {  	s1 =	rddreg [dreg:$0x1];
	p0 =	sne.s32 s2, $0x0  }
0x111: {  	s3 =	rddreg [dreg:$0x2];
	[bflag:$0x3] =	sbarrier.arrive $0xFFFF;
	s2 =	simm.s32 @!p0 $0x1C05  }
0x112: {  	[timem:s3], [sflag:s2] =	dma.local @!p0 [hbm:s0], s1  }
0x113: {  	s0 =	simm.s32 @!p0 $0x5  }
0x114: {  	_ =	swait.ge @!p0 [sflag:s0], s1  }
0x115: {  	s1 =	ssub.s32 @!p0 $0x0, s1;
	[sflag:s0] =	ssyncset.done @!p0 $0x0  }
0x116: {  	[sflag:s0] =	ssyncadd.s32 @!p0 s1  }
0x117: {  	[bflag:$0x3] =	sbarrier.arrive $0xFFFF  }
0x118: {  	_ =	shalt  }

</sc_bundles>
